<compile_context>
chip_gen: v7x
topology: tpu7x:2x2x1
jax: 0.10.2.dev20260603
libtpu: 0.0.44.dev20260713+nightly
codegen_flags: <defaults>
</compile_context>

<pallas_src>
import functools
import math

import jax
import jax.numpy as jnp
import numpy as np
from jax import lax
from jax.experimental import pallas as pl
from jax.experimental.pallas import tpu as pltpu
from jax.experimental.pallas import tpu_sc as plsc

_EMBED = 128
_MAX_LEN = 30
_LANES = 16
_NC, _NS = 2, 16


def _pe_table() -> np.ndarray:
    position = np.arange(_MAX_LEN, dtype=np.float32)[:, None]
    div_term = np.exp(
        np.arange(0, _EMBED, 2, dtype=np.float32) * -(math.log(10000.0) / _EMBED)
    )
    pe = np.zeros((_MAX_LEN, _EMBED), dtype=np.float32)
    pe[:, 0::2] = np.sin(position * div_term)
    pe[:, 1::2] = np.cos(position * div_term)
    return pe


_PE = _pe_table()

_PER_W = 104
_CHUNKS = ((0, 48), (48, 48), (96, 8))


@functools.lru_cache(maxsize=None)
def _build_sc_kernel(n: int, half_l: int):
    mesh = plsc.VectorSubcoreMesh(core_axis_name="c", subcore_axis_name="s")

    @functools.partial(
        pl.kernel,
        out_type=jax.ShapeDtypeStruct((n, _EMBED), jnp.float32),
        mesh=mesh,
        scratch_types=[
            pltpu.VMEM((_PER_W,), jnp.int32),
            pltpu.VMEM((_EMBED,), jnp.float32),
            pltpu.VMEM((_PER_W, _EMBED), jnp.float32),
        ]
        + [pltpu.SemaphoreType.DMA] * (2 * len(_CHUNKS) + 2),
    )
    def sc_kernel(idx_hbm, bias_hbm, table_hbm, out_hbm,
                  idx_v, bias_v, rows_v, *sems):
        nch = len(_CHUNKS)
        gsems, wsems, bsems = sems[:nch], sems[nch:2 * nch], sems[2 * nch:]
        wid = lax.axis_index("s") * _NC + lax.axis_index("c")
        b = wid // 2
        base = b * (2 * half_l) + (wid % 2) * (2 * half_l - _PER_W)
        bias_cp = pltpu.async_copy(bias_hbm.at[b], bias_v, bsems[0])
        idx_cp = pltpu.async_copy(idx_hbm.at[pl.ds(base, _PER_W)], idx_v, bsems[1])
        idx_cp.wait()
        gathers = [
            pltpu.async_copy(
                table_hbm.at[idx_v.at[pl.ds(off, cnt)]],
                rows_v.at[pl.ds(off, cnt)],
                gsems[k],
            )
            for k, (off, cnt) in enumerate(_CHUNKS)
        ]
        bias_cp.wait()
        bias = [bias_v[pl.ds(j * _LANES, _LANES)] for j in range(_EMBED // _LANES)]

        def add_row(i, carry):
            for j in range(_EMBED // _LANES):
                sl = pl.ds(j * _LANES, _LANES)
                rows_v[i, sl] = rows_v[i, sl] + bias[j]
            return carry

        writes = []
        for k, (off, cnt) in enumerate(_CHUNKS):
            gathers[k].wait()
            lax.fori_loop(off, off + cnt, add_row, 0)
            writes.append(
                pltpu.async_copy(
                    rows_v.at[pl.ds(off, cnt)],
                    out_hbm.at[pl.ds(base + off, cnt)],
                    wsems[k],
                )
            )
        for w in writes:
            w.wait()

    return sc_kernel


def kernel(sequence, token_table, segment_weight):
    B, L = sequence.shape
    idx = sequence.astype(jnp.int32).reshape(-1)
    bias2d = jnp.asarray(_PE[:B]) + segment_weight
    out = _build_sc_kernel(B * L, L // 2)(idx, bias2d, token_table)
    return out.reshape(B, L, _EMBED)

# --- scband reference (transcript-rebuilt; emitter-appended) ---
"""Pipeline reference for scband-prompt-embedding-44066364457299 (READ-ONLY COPY).

The authoritative reference and input builder live on the scoring server;
editing this copy changes nothing except your own understanding.
"""

import math
import jax, jax.numpy as jnp
import numpy as np

VOCAB = 100000
EMBED = 128
MAX_LEN = 30
B, L = 16, 200


def _make_pe(d_model=EMBED, max_len=MAX_LEN):
    position = np.arange(max_len, dtype=np.float32)[:, None]
    div_term = np.exp(np.arange(0, d_model, 2, dtype=np.float32) * -(math.log(10000.0) / d_model))
    pe = np.zeros((max_len, d_model), dtype=np.float32)
    pe[:, 0::2] = np.sin(position * div_term)
    pe[:, 1::2] = np.cos(position * div_term)
    return jnp.asarray(pe[None])  # [1, max_len, d_model]


def setup_inputs(seed: int = 0) -> dict:
    key = jax.random.key(seed)
    k1, k2, k3 = jax.random.split(key, 3)
    sequence = jax.random.randint(k1, (B, L), 0, VOCAB)
    token_table = jax.random.normal(k2, (VOCAB, EMBED), dtype=jnp.float32) * 0.02
    segment_weight = jax.random.normal(k3, (1, EMBED), dtype=jnp.float32) * 0.02
    return {"sequence": sequence, "token_table": token_table, "segment_weight": segment_weight}


def reference(sequence, token_table, segment_weight):
    # PromptEmbedding.forward (eval mode: dropout = identity):
    #   out = token(sequence) + position(sequence) + segment.weight
    pe = _make_pe()
    tok = jnp.take(token_table, sequence, axis=0)            # [B, L, E] gather
    # PositionalEmbedding: pe[:, :x.size(0)].transpose(0, 1) -> [B, 1, E]
    pos = jnp.transpose(pe[:, :sequence.shape[0]], (1, 0, 2))  # [B, 1, E]
    out = tok + pos + segment_weight                          # segment_weight broadcasts [1, E]
    return out

if __name__ == "__main__":
    import jax
    _d = setup_inputs()
    print(jax.jit(kernel)(*tuple(_d.values())))

</pallas_src>

<mosaic_0001>
#map = affine_map<(d0, d1) -> (0)>
#map1 = affine_map<(d0, d1) -> (0, 0)>
module attributes {stable_mosaic.version = 14 : i64} {
  func.func @sc_kernel(%arg0: i32, %arg1: i32, %arg2: memref<3200xi32, #tpu.memory_space<hbm>>, %arg3: memref<16x128xf32, #tpu.memory_space<hbm>>, %arg4: memref<100000x128xf32, #tpu.memory_space<hbm>>, %arg5: memref<3200x128xf32, #tpu.memory_space<hbm>>, %arg6: memref<104xi32, #tpu.memory_space<vmem>>, %arg7: memref<128xf32, #tpu.memory_space<vmem>>, %arg8: memref<104x128xf32, #tpu.memory_space<vmem>>, %arg9: memref<!tpu.dma_semaphore, #tpu.memory_space<semaphore_mem>>, %arg10: memref<!tpu.dma_semaphore, #tpu.memory_space<semaphore_mem>>, %arg11: memref<!tpu.dma_semaphore, #tpu.memory_space<semaphore_mem>>, %arg12: memref<!tpu.dma_semaphore, #tpu.memory_space<semaphore_mem>>, %arg13: memref<!tpu.dma_semaphore, #tpu.memory_space<semaphore_mem>>, %arg14: memref<!tpu.dma_semaphore, #tpu.memory_space<semaphore_mem>>, %arg15: memref<!tpu.dma_semaphore, #tpu.memory_space<semaphore_mem>>, %arg16: memref<!tpu.dma_semaphore, #tpu.memory_space<semaphore_mem>>) attributes {dimension_semantics = [#tpu.dimension_semantics<core_parallel>, #tpu.dimension_semantics<subcore_parallel>], iteration_bounds = array<i64: 2, 16>, scalar_prefetch = 0 : i64, scratch_operands = 11 : i64, tpu.core_type = #tpu.core_type<sc_vector_subcore>, window_params = [{transform_indices = #map}, {transform_indices = #map1}, {transform_indices = #map1}, {transform_indices = #map1}]} {
    %mul3A = arith.constant 2 : i32
    %mul3A_0 = arith.muli %arg1, %mul3A : i32
    %add3A = arith.addi %mul3A_0, %arg0 : i32
    %jit3A = arith.constant 2 : i32
    %div3A = arith.divsi %add3A, %jit3A : i32
    %sign3A = arith.constant 0 : i32
    %sign3A_1 = arith.cmpi sgt, %add3A, %sign3A : i32
    %sign3A_2 = arith.extui %sign3A_1 : i1 to i32
    %sign3A_3 = arith.constant 0 : i32
    %sign3A_4 = arith.cmpi slt, %add3A, %sign3A_3 : i32
    %sign3A_5 = arith.extui %sign3A_4 : i1 to i32
    %sign3A_6 = arith.subi %sign3A_2, %sign3A_5 : i32
    %sign3A_7 = arith.constant 0 : i32
    %sign3A_8 = arith.cmpi sgt, %jit3A, %sign3A_7 : i32
    %sign3A_9 = arith.extui %sign3A_8 : i1 to i32
    %sign3A_10 = arith.constant 0 : i32
    %sign3A_11 = arith.cmpi slt, %jit3A, %sign3A_10 : i32
    %sign3A_12 = arith.extui %sign3A_11 : i1 to i32
    %sign3A_13 = arith.subi %sign3A_9, %sign3A_12 : i32
    %ne3A = arith.cmpi ne, %sign3A_6, %sign3A_13 : i32
    %rem3A = arith.remsi %add3A, %jit3A : i32
    %ne3A_14 = arith.constant 0 : i32
    %ne3A_15 = arith.cmpi ne, %rem3A, %ne3A_14 : i32
    %and3A = arith.andi %ne3A, %ne3A_15 : i1
    %sub3A = arith.constant 1 : i32
    %sub3A_16 = arith.subi %div3A, %sub3A : i32
    %select_n3A = arith.select %and3A, %sub3A_16, %div3A : i32
    %mul3A_17 = arith.constant 200 : i32
    %mul3A_18 = arith.muli %select_n3A, %mul3A_17 : i32
    %jit3A_19 = arith.constant 2 : i32
    %eq3A = arith.constant 0 : i32
    %eq3A_20 = arith.cmpi eq, %jit3A_19, %eq3A : i32
    %jit3A_21 = arith.constant 1 : i32
    %select_n3A_22 = arith.select %eq3A_20, %jit3A_21, %jit3A_19 : i32
    %rem3A_23 = arith.remsi %add3A, %select_n3A_22 : i32
    %ne3A_24 = arith.constant 0 : i32
    %ne3A_25 = arith.cmpi ne, %rem3A_23, %ne3A_24 : i32
    %lt3A = arith.constant 0 : i32
    %lt3A_26 = arith.cmpi slt, %rem3A_23, %lt3A : i32
    %lt3A_27 = arith.constant 0 : i32
    %lt3A_28 = arith.cmpi slt, %select_n3A_22, %lt3A_27 : i32
    %ne3A_29 = arith.xori %lt3A_26, %lt3A_28 : i1
    %and3A_30 = arith.andi %ne3A_29, %ne3A_25 : i1
    %add3A_31 = arith.addi %rem3A_23, %select_n3A_22 : i32
    %select_n3A_32 = arith.select %and3A_30, %add3A_31, %rem3A_23 : i32
    %mul3A_33 = arith.constant 96 : i32
    %mul3A_34 = arith.muli %select_n3A_32, %mul3A_33 : i32
    %add3A_35 = arith.addi %mul3A_18, %mul3A_34 : i32
    %dma_start3A = arith.constant 0 : i32
    %dma_start3A_36 = tpu.memref_slice %arg3[%select_n3A, %dma_start3A] : memref<16x128xf32, #tpu.memory_space<hbm>> -> memref<1x128xf32, #tpu.memory_space<hbm>>
    %dma_start3A_37 = tpu.memref_squeeze %dma_start3A_36 : memref<1x128xf32, #tpu.memory_space<hbm>> -> memref<128xf32, #tpu.memory_space<hbm>>
    %dma_start3A_38 = arith.constant 0 : i32
    %dma_start3A_39 = tpu.memref_slice %arg3[%select_n3A, %dma_start3A_38] : memref<16x128xf32, #tpu.memory_space<hbm>> -> memref<1x128xf32, #tpu.memory_space<hbm>>
    %dma_start3A_40 = tpu.memref_squeeze %dma_start3A_39 : memref<1x128xf32, #tpu.memory_space<hbm>> -> memref<128xf32, #tpu.memory_space<hbm>>
    tpu.enqueue_dma source(%dma_start3A_40 : memref<128xf32, #tpu.memory_space<hbm>>) target(%arg7 : memref<128xf32, #tpu.memory_space<vmem>>) target_semaphore(%arg15 : memref<!tpu.dma_semaphore, #tpu.memory_space<semaphore_mem>>)
    %dma_start3A_41 = tpu.memref_slice %arg2[%add3A_35] : memref<3200xi32, #tpu.memory_space<hbm>> -> memref<104xi32, #tpu.memory_space<hbm>>
    %dma_start3A_42 = tpu.memref_slice %arg2[%add3A_35] : memref<3200xi32, #tpu.memory_space<hbm>> -> memref<104xi32, #tpu.memory_space<hbm>>
    tpu.enqueue_dma source(%dma_start3A_42 : memref<104xi32, #tpu.memory_space<hbm>>) target(%arg6 : memref<104xi32, #tpu.memory_space<vmem>>) target_semaphore(%arg16 : memref<!tpu.dma_semaphore, #tpu.memory_space<semaphore_mem>>)
    %dma_wait3A = tpu.memref_slice %arg2[%add3A_35] : memref<3200xi32, #tpu.memory_space<hbm>> -> memref<104xi32, #tpu.memory_space<hbm>>
    %dma_wait3A_43 = tpu.memref_slice %arg2[%add3A_35] : memref<3200xi32, #tpu.memory_space<hbm>> -> memref<104xi32, #tpu.memory_space<hbm>>
    tpu.wait_dma2 semaphore(%arg16 : memref<!tpu.dma_semaphore, #tpu.memory_space<semaphore_mem>>) src(%dma_wait3A_43 : memref<104xi32, #tpu.memory_space<hbm>>) dst(%arg6 : memref<104xi32, #tpu.memory_space<vmem>>)
    %dma_start3A_44 = arith.constant 0 : i32
    %dma_start3A_45 = arith.constant 0 : i32
    %dma_start3A_46 = tpu.memref_slice %arg8[%dma_start3A_44, %dma_start3A_45] : memref<104x128xf32, #tpu.memory_space<vmem>> -> memref<48x128xf32, #tpu.memory_space<vmem>>
    %dma_start3A_47 = arith.constant 0 : i32
    %dma_start3A_48 = tpu.memref_slice %arg6[%dma_start3A_47] : memref<104xi32, #tpu.memory_space<vmem>> -> memref<48xi32, #tpu.memory_space<vmem>>
    %dma_start3A_49 = arith.constant 0 : i32
    %dma_start3A_50 = arith.constant 0 : i32
    %dma_start3A_51 = tpu.memref_slice %arg4[%dma_start3A_49, %dma_start3A_50] : memref<100000x128xf32, #tpu.memory_space<hbm>> -> memref<100000x128xf32, #tpu.memory_space<hbm>>
    tpu.enqueue_indirect_dma source(%dma_start3A_51 : memref<100000x128xf32, #tpu.memory_space<hbm>>) target(%dma_start3A_46 : memref<48x128xf32, #tpu.memory_space<vmem>>) offsets(%dma_start3A_48 : memref<48xi32, #tpu.memory_space<vmem>>) semaphore(%arg9 : memref<!tpu.dma_semaphore, #tpu.memory_space<semaphore_mem>>)
    %dma_start3A_52 = arith.constant 48 : i32
    %dma_start3A_53 = arith.constant 0 : i32
    %dma_start3A_54 = tpu.memref_slice %arg8[%dma_start3A_52, %dma_start3A_53] : memref<104x128xf32, #tpu.memory_space<vmem>> -> memref<48x128xf32, #tpu.memory_space<vmem>>
    %dma_start3A_55 = arith.constant 48 : i32
    %dma_start3A_56 = tpu.memref_slice %arg6[%dma_start3A_55] : memref<104xi32, #tpu.memory_space<vmem>> -> memref<48xi32, #tpu.memory_space<vmem>>
    %dma_start3A_57 = arith.constant 0 : i32
    %dma_start3A_58 = arith.constant 0 : i32
    %dma_start3A_59 = tpu.memref_slice %arg4[%dma_start3A_57, %dma_start3A_58] : memref<100000x128xf32, #tpu.memory_space<hbm>> -> memref<100000x128xf32, #tpu.memory_space<hbm>>
    tpu.enqueue_indirect_dma source(%dma_start3A_59 : memref<100000x128xf32, #tpu.memory_space<hbm>>) target(%dma_start3A_54 : memref<48x128xf32, #tpu.memory_space<vmem>>) offsets(%dma_start3A_56 : memref<48xi32, #tpu.memory_space<vmem>>) semaphore(%arg10 : memref<!tpu.dma_semaphore, #tpu.memory_space<semaphore_mem>>)
    %dma_start3A_60 = arith.constant 96 : i32
    %dma_start3A_61 = arith.constant 0 : i32
    %dma_start3A_62 = tpu.memref_slice %arg8[%dma_start3A_60, %dma_start3A_61] : memref<104x128xf32, #tpu.memory_space<vmem>> -> memref<8x128xf32, #tpu.memory_space<vmem>>
    %dma_start3A_63 = arith.constant 96 : i32
    %dma_start3A_64 = tpu.memref_slice %arg6[%dma_start3A_63] : memref<104xi32, #tpu.memory_space<vmem>> -> memref<8xi32, #tpu.memory_space<vmem>>
    %dma_start3A_65 = arith.constant 0 : i32
    %dma_start3A_66 = arith.constant 0 : i32
    %dma_start3A_67 = tpu.memref_slice %arg4[%dma_start3A_65, %dma_start3A_66] : memref<100000x128xf32, #tpu.memory_space<hbm>> -> memref<100000x128xf32, #tpu.memory_space<hbm>>
    tpu.enqueue_indirect_dma source(%dma_start3A_67 : memref<100000x128xf32, #tpu.memory_space<hbm>>) target(%dma_start3A_62 : memref<8x128xf32, #tpu.memory_space<vmem>>) offsets(%dma_start3A_64 : memref<8xi32, #tpu.memory_space<vmem>>) semaphore(%arg11 : memref<!tpu.dma_semaphore, #tpu.memory_space<semaphore_mem>>)
    %dma_wait3A_68 = arith.constant 0 : i32
    %dma_wait3A_69 = tpu.memref_slice %arg3[%select_n3A, %dma_wait3A_68] : memref<16x128xf32, #tpu.memory_space<hbm>> -> memref<1x128xf32, #tpu.memory_space<hbm>>
    %dma_wait3A_70 = tpu.memref_squeeze %dma_wait3A_69 : memref<1x128xf32, #tpu.memory_space<hbm>> -> memref<128xf32, #tpu.memory_space<hbm>>
    %dma_wait3A_71 = arith.constant 0 : i32
    %dma_wait3A_72 = tpu.memref_slice %arg3[%select_n3A, %dma_wait3A_71] : memref<16x128xf32, #tpu.memory_space<hbm>> -> memref<1x128xf32, #tpu.memory_space<hbm>>
    %dma_wait3A_73 = tpu.memref_squeeze %dma_wait3A_72 : memref<1x128xf32, #tpu.memory_space<hbm>> -> memref<128xf32, #tpu.memory_space<hbm>>
    tpu.wait_dma2 semaphore(%arg15 : memref<!tpu.dma_semaphore, #tpu.memory_space<semaphore_mem>>) src(%dma_wait3A_73 : memref<128xf32, #tpu.memory_space<hbm>>) dst(%arg7 : memref<128xf32, #tpu.memory_space<vmem>>)
    %get3A = arith.constant 0 : index
    %get3A_74 = tpu.vector_load %arg7[%get3A] {strides = array<i32>} : memref<128xf32, #tpu.memory_space<vmem>>, vector<16xf32>,
    %get3A_75 = vector.shape_cast %get3A_74 : vector<16xf32> to vector<16xf32>
    %get3A_76 = arith.constant 16 : index
    %get3A_77 = tpu.vector_load %arg7[%get3A_76] {strides = array<i32>} : memref<128xf32, #tpu.memory_space<vmem>>, vector<16xf32>,
    %get3A_78 = vector.shape_cast %get3A_77 : vector<16xf32> to vector<16xf32>
    %get3A_79 = arith.constant 32 : index
    %get3A_80 = tpu.vector_load %arg7[%get3A_79] {strides = array<i32>} : memref<128xf32, #tpu.memory_space<vmem>>, vector<16xf32>,
    %get3A_81 = vector.shape_cast %get3A_80 : vector<16xf32> to vector<16xf32>
    %get3A_82 = arith.constant 48 : index
    %get3A_83 = tpu.vector_load %arg7[%get3A_82] {strides = array<i32>} : memref<128xf32, #tpu.memory_space<vmem>>, vector<16xf32>,
    %get3A_84 = vector.shape_cast %get3A_83 : vector<16xf32> to vector<16xf32>
    %get3A_85 = arith.constant 64 : index
    %get3A_86 = tpu.vector_load %arg7[%get3A_85] {strides = array<i32>} : memref<128xf32, #tpu.memory_space<vmem>>, vector<16xf32>,
    %get3A_87 = vector.shape_cast %get3A_86 : vector<16xf32> to vector<16xf32>
    %get3A_88 = arith.constant 80 : index
    %get3A_89 = tpu.vector_load %arg7[%get3A_88] {strides = array<i32>} : memref<128xf32, #tpu.memory_space<vmem>>, vector<16xf32>,
    %get3A_90 = vector.shape_cast %get3A_89 : vector<16xf32> to vector<16xf32>
    %get3A_91 = arith.constant 96 : index
    %get3A_92 = tpu.vector_load %arg7[%get3A_91] {strides = array<i32>} : memref<128xf32, #tpu.memory_space<vmem>>, vector<16xf32>,
    %get3A_93 = vector.shape_cast %get3A_92 : vector<16xf32> to vector<16xf32>
    %get3A_94 = arith.constant 112 : index
    %get3A_95 = tpu.vector_load %arg7[%get3A_94] {strides = array<i32>} : memref<128xf32, #tpu.memory_space<vmem>>, vector<16xf32>,
    %get3A_96 = vector.shape_cast %get3A_95 : vector<16xf32> to vector<16xf32>
    %dma_wait3A_97 = arith.constant 0 : i32
    %dma_wait3A_98 = arith.constant 0 : i32
    %dma_wait3A_99 = tpu.memref_slice %arg8[%dma_wait3A_97, %dma_wait3A_98] : memref<104x128xf32, #tpu.memory_space<vmem>> -> memref<48x128xf32, #tpu.memory_space<vmem>>
    %dma_wait3A_100 = arith.constant 0 : i32
    %dma_wait3A_101 = tpu.memref_slice %arg6[%dma_wait3A_100] : memref<104xi32, #tpu.memory_space<vmem>> -> memref<48xi32, #tpu.memory_space<vmem>>
    %dma_wait3A_102 = arith.constant 0 : i32
    %dma_wait3A_103 = arith.constant 0 : i32
    %dma_wait3A_104 = tpu.memref_slice %arg4[%dma_wait3A_102, %dma_wait3A_103] : memref<100000x128xf32, #tpu.memory_space<hbm>> -> memref<100000x128xf32, #tpu.memory_space<hbm>>
    tpu.wait_indirect_dma semaphore(%arg9 : memref<!tpu.dma_semaphore, #tpu.memory_space<semaphore_mem>>) src(%dma_wait3A_104 : memref<100000x128xf32, #tpu.memory_space<hbm>>) dst(%dma_wait3A_99 : memref<48x128xf32, #tpu.memory_space<vmem>>)
    %scan3A = arith.constant 0 : i32
    %scan3A_105 = arith.constant 0 : i32
    %scan3A_106 = arith.constant 48 : i32
    %scan3A_107 = arith.addi %scan3A_105, %scan3A_106 : i32
    %scan3A_108 = arith.constant 1 : i32
    scf.for %scan3A_204 = %scan3A_105 to %scan3A_107 step %scan3A_108  : i32 {
      %get3A_205 = arith.index_cast %scan3A_204 : i32 to index
      %get3A_206 = arith.constant 0 : index
      %get3A_207 = tpu.vector_load %arg8[%get3A_205, %get3A_206] {strides = array<i32>} : memref<104x128xf32, #tpu.memory_space<vmem>>, vector<1x16xf32>,
      %get3A_208 = vector.shape_cast %get3A_207 : vector<1x16xf32> to vector<16xf32>
      %add3A_209 = arith.addf %get3A_208, %get3A_75 : vector<16xf32>
      %swap3A = arith.index_cast %scan3A_204 : i32 to index
      %swap3A_210 = arith.constant 0 : index
      %swap3A_211 = tpu.vector_load %arg8[%swap3A, %swap3A_210] {strides = array<i32>} : memref<104x128xf32, #tpu.memory_space<vmem>>, vector<1x16xf32>,
      %swap3A_212 = vector.shape_cast %swap3A_211 : vector<1x16xf32> to vector<16xf32>
      %swap3A_213 = vector.shape_cast %add3A_209 : vector<16xf32> to vector<1x16xf32>
      tpu.vector_store %arg8[%swap3A, %swap3A_210], %swap3A_213 {strides = array<i32>} : memref<104x128xf32, #tpu.memory_space<vmem>>, vector<1x16xf32>,
      %get3A_214 = arith.index_cast %scan3A_204 : i32 to index
      %get3A_215 = arith.constant 16 : index
      %get3A_216 = tpu.vector_load %arg8[%get3A_214, %get3A_215] {strides = array<i32>} : memref<104x128xf32, #tpu.memory_space<vmem>>, vector<1x16xf32>,
      %get3A_217 = vector.shape_cast %get3A_216 : vector<1x16xf32> to vector<16xf32>
      %add3A_218 = arith.addf %get3A_217, %get3A_78 : vector<16xf32>
      %swap3A_219 = arith.index_cast %scan3A_204 : i32 to index
      %swap3A_220 = arith.constant 16 : index
      %swap3A_221 = tpu.vector_load %arg8[%swap3A_219, %swap3A_220] {strides = array<i32>} : memref<104x128xf32, #tpu.memory_space<vmem>>, vector<1x16xf32>,
      %swap3A_222 = vector.shape_cast %swap3A_221 : vector<1x16xf32> to vector<16xf32>
      %swap3A_223 = vector.shape_cast %add3A_218 : vector<16xf32> to vector<1x16xf32>
      tpu.vector_store %arg8[%swap3A_219, %swap3A_220], %swap3A_223 {strides = array<i32>} : memref<104x128xf32, #tpu.memory_space<vmem>>, vector<1x16xf32>,
      %get3A_224 = arith.index_cast %scan3A_204 : i32 to index
      %get3A_225 = arith.constant 32 : index
      %get3A_226 = tpu.vector_load %arg8[%get3A_224, %get3A_225] {strides = array<i32>} : memref<104x128xf32, #tpu.memory_space<vmem>>, vector<1x16xf32>,
      %get3A_227 = vector.shape_cast %get3A_226 : vector<1x16xf32> to vector<16xf32>
      %add3A_228 = arith.addf %get3A_227, %get3A_81 : vector<16xf32>
      %swap3A_229 = arith.index_cast %scan3A_204 : i32 to index
      %swap3A_230 = arith.constant 32 : index
      %swap3A_231 = tpu.vector_load %arg8[%swap3A_229, %swap3A_230] {strides = array<i32>} : memref<104x128xf32, #tpu.memory_space<vmem>>, vector<1x16xf32>,
      %swap3A_232 = vector.shape_cast %swap3A_231 : vector<1x16xf32> to vector<16xf32>
      %swap3A_233 = vector.shape_cast %add3A_228 : vector<16xf32> to vector<1x16xf32>
      tpu.vector_store %arg8[%swap3A_229, %swap3A_230], %swap3A_233 {strides = array<i32>} : memref<104x128xf32, #tpu.memory_space<vmem>>, vector<1x16xf32>,
      %get3A_234 = arith.index_cast %scan3A_204 : i32 to index
      %get3A_235 = arith.constant 48 : index
      %get3A_236 = tpu.vector_load %arg8[%get3A_234, %get3A_235] {strides = array<i32>} : memref<104x128xf32, #tpu.memory_space<vmem>>, vector<1x16xf32>,
      %get3A_237 = vector.shape_cast %get3A_236 : vector<1x16xf32> to vector<16xf32>
      %add3A_238 = arith.addf %get3A_237, %get3A_84 : vector<16xf32>
      %swap3A_239 = arith.index_cast %scan3A_204 : i32 to index
      %swap3A_240 = arith.constant 48 : index
      %swap3A_241 = tpu.vector_load %arg8[%swap3A_239, %swap3A_240] {strides = array<i32>} : memref<104x128xf32, #tpu.memory_space<vmem>>, vector<1x16xf32>,
      %swap3A_242 = vector.shape_cast %swap3A_241 : vector<1x16xf32> to vector<16xf32>
      %swap3A_243 = vector.shape_cast %add3A_238 : vector<16xf32> to vector<1x16xf32>
      tpu.vector_store %arg8[%swap3A_239, %swap3A_240], %swap3A_243 {strides = array<i32>} : memref<104x128xf32, #tpu.memory_space<vmem>>, vector<1x16xf32>,
      %get3A_244 = arith.index_cast %scan3A_204 : i32 to index
      %get3A_245 = arith.constant 64 : index
      %get3A_246 = tpu.vector_load %arg8[%get3A_244, %get3A_245] {strides = array<i32>} : memref<104x128xf32, #tpu.memory_space<vmem>>, vector<1x16xf32>,
      %get3A_247 = vector.shape_cast %get3A_246 : vector<1x16xf32> to vector<16xf32>
      %add3A_248 = arith.addf %get3A_247, %get3A_87 : vector<16xf32>
      %swap3A_249 = arith.index_cast %scan3A_204 : i32 to index
      %swap3A_250 = arith.constant 64 : index
      %swap3A_251 = tpu.vector_load %arg8[%swap3A_249, %swap3A_250] {strides = array<i32>} : memref<104x128xf32, #tpu.memory_space<vmem>>, vector<1x16xf32>,
      %swap3A_252 = vector.shape_cast %swap3A_251 : vector<1x16xf32> to vector<16xf32>
      %swap3A_253 = vector.shape_cast %add3A_248 : vector<16xf32> to vector<1x16xf32>
      tpu.vector_store %arg8[%swap3A_249, %swap3A_250], %swap3A_253 {strides = array<i32>} : memref<104x128xf32, #tpu.memory_space<vmem>>, vector<1x16xf32>,
      %get3A_254 = arith.index_cast %scan3A_204 : i32 to index
      %get3A_255 = arith.constant 80 : index
      %get3A_256 = tpu.vector_load %arg8[%get3A_254, %get3A_255] {strides = array<i32>} : memref<104x128xf32, #tpu.memory_space<vmem>>, vector<1x16xf32>,
      %get3A_257 = vector.shape_cast %get3A_256 : vector<1x16xf32> to vector<16xf32>
      %add3A_258 = arith.addf %get3A_257, %get3A_90 : vector<16xf32>
      %swap3A_259 = arith.index_cast %scan3A_204 : i32 to index
      %swap3A_260 = arith.constant 80 : index
      %swap3A_261 = tpu.vector_load %arg8[%swap3A_259, %swap3A_260] {strides = array<i32>} : memref<104x128xf32, #tpu.memory_space<vmem>>, vector<1x16xf32>,
      %swap3A_262 = vector.shape_cast %swap3A_261 : vector<1x16xf32> to vector<16xf32>
      %swap3A_263 = vector.shape_cast %add3A_258 : vector<16xf32> to vector<1x16xf32>
      tpu.vector_store %arg8[%swap3A_259, %swap3A_260], %swap3A_263 {strides = array<i32>} : memref<104x128xf32, #tpu.memory_space<vmem>>, vector<1x16xf32>,
      %get3A_264 = arith.index_cast %scan3A_204 : i32 to index
      %get3A_265 = arith.constant 96 : index
      %get3A_266 = tpu.vector_load %arg8[%get3A_264, %get3A_265] {strides = array<i32>} : memref<104x128xf32, #tpu.memory_space<vmem>>, vector<1x16xf32>,
      %get3A_267 = vector.shape_cast %get3A_266 : vector<1x16xf32> to vector<16xf32>
      %add3A_268 = arith.addf %get3A_267, %get3A_93 : vector<16xf32>
      %swap3A_269 = arith.index_cast %scan3A_204 : i32 to index
      %swap3A_270 = arith.constant 96 : index
      %swap3A_271 = tpu.vector_load %arg8[%swap3A_269, %swap3A_270] {strides = array<i32>} : memref<104x128xf32, #tpu.memory_space<vmem>>, vector<1x16xf32>,
      %swap3A_272 = vector.shape_cast %swap3A_271 : vector<1x16xf32> to vector<16xf32>
      %swap3A_273 = vector.shape_cast %add3A_268 : vector<16xf32> to vector<1x16xf32>
      tpu.vector_store %arg8[%swap3A_269, %swap3A_270], %swap3A_273 {strides = array<i32>} : memref<104x128xf32, #tpu.memory_space<vmem>>, vector<1x16xf32>,
      %get3A_274 = arith.index_cast %scan3A_204 : i32 to index
      %get3A_275 = arith.constant 112 : index
      %get3A_276 = tpu.vector_load %arg8[%get3A_274, %get3A_275] {strides = array<i32>} : memref<104x128xf32, #tpu.memory_space<vmem>>, vector<1x16xf32>,
      %get3A_277 = vector.shape_cast %get3A_276 : vector<1x16xf32> to vector<16xf32>
      %add3A_278 = arith.addf %get3A_277, %get3A_96 : vector<16xf32>
      %swap3A_279 = arith.index_cast %scan3A_204 : i32 to index
      %swap3A_280 = arith.constant 112 : index
      %swap3A_281 = tpu.vector_load %arg8[%swap3A_279, %swap3A_280] {strides = array<i32>} : memref<104x128xf32, #tpu.memory_space<vmem>>, vector<1x16xf32>,
      %swap3A_282 = vector.shape_cast %swap3A_281 : vector<1x16xf32> to vector<16xf32>
      %swap3A_283 = vector.shape_cast %add3A_278 : vector<16xf32> to vector<1x16xf32>
      tpu.vector_store %arg8[%swap3A_279, %swap3A_280], %swap3A_283 {strides = array<i32>} : memref<104x128xf32, #tpu.memory_space<vmem>>, vector<1x16xf32>,
    }
    %scan3A_109 = arith.constant 48 : i32
    %add3A_110 = arith.constant 0 : i32
    %add3A_111 = arith.addi %add3A_35, %add3A_110 : i32
    %dma_start3A_112 = arith.constant 0 : i32
    %dma_start3A_113 = arith.constant 0 : i32
    %dma_start3A_114 = tpu.memref_slice %arg8[%dma_start3A_112, %dma_start3A_113] : memref<104x128xf32, #tpu.memory_space<vmem>> -> memref<48x128xf32, #tpu.memory_space<vmem>>
    %dma_start3A_115 = arith.constant 0 : i32
    %dma_start3A_116 = tpu.memref_slice %arg5[%add3A_111, %dma_start3A_115] : memref<3200x128xf32, #tpu.memory_space<hbm>> -> memref<48x128xf32, #tpu.memory_space<hbm>>
    %dma_start3A_117 = arith.constant 0 : i32
    %dma_start3A_118 = tpu.memref_slice %arg5[%add3A_111, %dma_start3A_117] : memref<3200x128xf32, #tpu.memory_space<hbm>> -> memref<48x128xf32, #tpu.memory_space<hbm>>
    %dma_start3A_119 = arith.constant 0 : i32
    %dma_start3A_120 = arith.constant 0 : i32
    %dma_start3A_121 = tpu.memref_slice %arg8[%dma_start3A_119, %dma_start3A_120] : memref<104x128xf32, #tpu.memory_space<vmem>> -> memref<48x128xf32, #tpu.memory_space<vmem>>
    tpu.enqueue_dma source(%dma_start3A_121 : memref<48x128xf32, #tpu.memory_space<vmem>>) target(%dma_start3A_118 : memref<48x128xf32, #tpu.memory_space<hbm>>) target_semaphore(%arg12 : memref<!tpu.dma_semaphore, #tpu.memory_space<semaphore_mem>>)
    %dma_wait3A_122 = arith.constant 48 : i32
    %dma_wait3A_123 = arith.constant 0 : i32
    %dma_wait3A_124 = tpu.memref_slice %arg8[%dma_wait3A_122, %dma_wait3A_123] : memref<104x128xf32, #tpu.memory_space<vmem>> -> memref<48x128xf32, #tpu.memory_space<vmem>>
    %dma_wait3A_125 = arith.constant 48 : i32
    %dma_wait3A_126 = tpu.memref_slice %arg6[%dma_wait3A_125] : memref<104xi32, #tpu.memory_space<vmem>> -> memref<48xi32, #tpu.memory_space<vmem>>
    %dma_wait3A_127 = arith.constant 0 : i32
    %dma_wait3A_128 = arith.constant 0 : i32
    %dma_wait3A_129 = tpu.memref_slice %arg4[%dma_wait3A_127, %dma_wait3A_128] : memref<100000x128xf32, #tpu.memory_space<hbm>> -> memref<100000x128xf32, #tpu.memory_space<hbm>>
    tpu.wait_indirect_dma semaphore(%arg10 : memref<!tpu.dma_semaphore, #tpu.memory_space<semaphore_mem>>) src(%dma_wait3A_129 : memref<100000x128xf32, #tpu.memory_space<hbm>>) dst(%dma_wait3A_124 : memref<48x128xf32, #tpu.memory_space<vmem>>)
    %scan3A_130 = arith.constant 0 : i32
    %scan3A_131 = arith.constant 48 : i32
    %scan3A_132 = arith.constant 48 : i32
    %scan3A_133 = arith.addi %scan3A_131, %scan3A_132 : i32
    %scan3A_134 = arith.constant 1 : i32
    scf.for %scan3A_204 = %scan3A_131 to %scan3A_133 step %scan3A_134  : i32 {
      %get3A_205 = arith.index_cast %scan3A_204 : i32 to index
      %get3A_206 = arith.constant 0 : index
      %get3A_207 = tpu.vector_load %arg8[%get3A_205, %get3A_206] {strides = array<i32>} : memref<104x128xf32, #tpu.memory_space<vmem>>, vector<1x16xf32>,
      %get3A_208 = vector.shape_cast %get3A_207 : vector<1x16xf32> to vector<16xf32>
      %add3A_209 = arith.addf %get3A_208, %get3A_75 : vector<16xf32>
      %swap3A = arith.index_cast %scan3A_204 : i32 to index
      %swap3A_210 = arith.constant 0 : index
      %swap3A_211 = tpu.vector_load %arg8[%swap3A, %swap3A_210] {strides = array<i32>} : memref<104x128xf32, #tpu.memory_space<vmem>>, vector<1x16xf32>,
      %swap3A_212 = vector.shape_cast %swap3A_211 : vector<1x16xf32> to vector<16xf32>
      %swap3A_213 = vector.shape_cast %add3A_209 : vector<16xf32> to vector<1x16xf32>
      tpu.vector_store %arg8[%swap3A, %swap3A_210], %swap3A_213 {strides = array<i32>} : memref<104x128xf32, #tpu.memory_space<vmem>>, vector<1x16xf32>,
      %get3A_214 = arith.index_cast %scan3A_204 : i32 to index
      %get3A_215 = arith.constant 16 : index
      %get3A_216 = tpu.vector_load %arg8[%get3A_214, %get3A_215] {strides = array<i32>} : memref<104x128xf32, #tpu.memory_space<vmem>>, vector<1x16xf32>,
      %get3A_217 = vector.shape_cast %get3A_216 : vector<1x16xf32> to vector<16xf32>
      %add3A_218 = arith.addf %get3A_217, %get3A_78 : vector<16xf32>
      %swap3A_219 = arith.index_cast %scan3A_204 : i32 to index
      %swap3A_220 = arith.constant 16 : index
      %swap3A_221 = tpu.vector_load %arg8[%swap3A_219, %swap3A_220] {strides = array<i32>} : memref<104x128xf32, #tpu.memory_space<vmem>>, vector<1x16xf32>,
      %swap3A_222 = vector.shape_cast %swap3A_221 : vector<1x16xf32> to vector<16xf32>
      %swap3A_223 = vector.shape_cast %add3A_218 : vector<16xf32> to vector<1x16xf32>
      tpu.vector_store %arg8[%swap3A_219, %swap3A_220], %swap3A_223 {strides = array<i32>} : memref<104x128xf32, #tpu.memory_space<vmem>>, vector<1x16xf32>,
      %get3A_224 = arith.index_cast %scan3A_204 : i32 to index
      %get3A_225 = arith.constant 32 : index
      %get3A_226 = tpu.vector_load %arg8[%get3A_224, %get3A_225] {strides = array<i32>} : memref<104x128xf32, #tpu.memory_space<vmem>>, vector<1x16xf32>,
      %get3A_227 = vector.shape_cast %get3A_226 : vector<1x16xf32> to vector<16xf32>
      %add3A_228 = arith.addf %get3A_227, %get3A_81 : vector<16xf32>
      %swap3A_229 = arith.index_cast %scan3A_204 : i32 to index
      %swap3A_230 = arith.constant 32 : index
      %swap3A_231 = tpu.vector_load %arg8[%swap3A_229, %swap3A_230] {strides = array<i32>} : memref<104x128xf32, #tpu.memory_space<vmem>>, vector<1x16xf32>,
      %swap3A_232 = vector.shape_cast %swap3A_231 : vector<1x16xf32> to vector<16xf32>
      %swap3A_233 = vector.shape_cast %add3A_228 : vector<16xf32> to vector<1x16xf32>
      tpu.vector_store %arg8[%swap3A_229, %swap3A_230], %swap3A_233 {strides = array<i32>} : memref<104x128xf32, #tpu.memory_space<vmem>>, vector<1x16xf32>,
      %get3A_234 = arith.index_cast %scan3A_204 : i32 to index
      %get3A_235 = arith.constant 48 : index
      %get3A_236 = tpu.vector_load %arg8[%get3A_234, %get3A_235] {strides = array<i32>} : memref<104x128xf32, #tpu.memory_space<vmem>>, vector<1x16xf32>,
      %get3A_237 = vector.shape_cast %get3A_236 : vector<1x16xf32> to vector<16xf32>
      %add3A_238 = arith.addf %get3A_237, %get3A_84 : vector<16xf32>
      %swap3A_239 = arith.index_cast %scan3A_204 : i32 to index
      %swap3A_240 = arith.constant 48 : index
      %swap3A_241 = tpu.vector_load %arg8[%swap3A_239, %swap3A_240] {strides = array<i32>} : memref<104x128xf32, #tpu.memory_space<vmem>>, vector<1x16xf32>,
      %swap3A_242 = vector.shape_cast %swap3A_241 : vector<1x16xf32> to vector<16xf32>
      %swap3A_243 = vector.shape_cast %add3A_238 : vector<16xf32> to vector<1x16xf32>
      tpu.vector_store %arg8[%swap3A_239, %swap3A_240], %swap3A_243 {strides = array<i32>} : memref<104x128xf32, #tpu.memory_space<vmem>>, vector<1x16xf32>,
      %get3A_244 = arith.index_cast %scan3A_204 : i32 to index
      %get3A_245 = arith.constant 64 : index
      %get3A_246 = tpu.vector_load %arg8[%get3A_244, %get3A_245] {strides = array<i32>} : memref<104x128xf32, #tpu.memory_space<vmem>>, vector<1x16xf32>,
      %get3A_247 = vector.shape_cast %get3A_246 : vector<1x16xf32> to vector<16xf32>
      %add3A_248 = arith.addf %get3A_247, %get3A_87 : vector<16xf32>
      %swap3A_249 = arith.index_cast %scan3A_204 : i32 to index
      %swap3A_250 = arith.constant 64 : index
      %swap3A_251 = tpu.vector_load %arg8[%swap3A_249, %swap3A_250] {strides = array<i32>} : memref<104x128xf32, #tpu.memory_space<vmem>>, vector<1x16xf32>,
      %swap3A_252 = vector.shape_cast %swap3A_251 : vector<1x16xf32> to vector<16xf32>
      %swap3A_253 = vector.shape_cast %add3A_248 : vector<16xf32> to vector<1x16xf32>
      tpu.vector_store %arg8[%swap3A_249, %swap3A_250], %swap3A_253 {strides = array<i32>} : memref<104x128xf32, #tpu.memory_space<vmem>>, vector<1x16xf32>,
      %get3A_254 = arith.index_cast %scan3A_204 : i32 to index
      %get3A_255 = arith.constant 80 : index
      %get3A_256 = tpu.vector_load %arg8[%get3A_254, %get3A_255] {strides = array<i32>} : memref<104x128xf32, #tpu.memory_space<vmem>>, vector<1x16xf32>,
      %get3A_257 = vector.shape_cast %get3A_256 : vector<1x16xf32> to vector<16xf32>
      %add3A_258 = arith.addf %get3A_257, %get3A_90 : vector<16xf32>
      %swap3A_259 = arith.index_cast %scan3A_204 : i32 to index
      %swap3A_260 = arith.constant 80 : index
      %swap3A_261 = tpu.vector_load %arg8[%swap3A_259, %swap3A_260] {strides = array<i32>} : memref<104x128xf32, #tpu.memory_space<vmem>>, vector<1x16xf32>,
      %swap3A_262 = vector.shape_cast %swap3A_261 : vector<1x16xf32> to vector<16xf32>
      %swap3A_263 = vector.shape_cast %add3A_258 : vector<16xf32> to vector<1x16xf32>
      tpu.vector_store %arg8[%swap3A_259, %swap3A_260], %swap3A_263 {strides = array<i32>} : memref<104x128xf32, #tpu.memory_space<vmem>>, vector<1x16xf32>,
      %get3A_264 = arith.index_cast %scan3A_204 : i32 to index
      %get3A_265 = arith.constant 96 : index
      %get3A_266 = tpu.vector_load %arg8[%get3A_264, %get3A_265] {strides = array<i32>} : memref<104x128xf32, #tpu.memory_space<vmem>>, vector<1x16xf32>,
      %get3A_267 = vector.shape_cast %get3A_266 : vector<1x16xf32> to vector<16xf32>
      %add3A_268 = arith.addf %get3A_267, %get3A_93 : vector<16xf32>
      %swap3A_269 = arith.index_cast %scan3A_204 : i32 to index
      %swap3A_270 = arith.constant 96 : index
      %swap3A_271 = tpu.vector_load %arg8[%swap3A_269, %swap3A_270] {strides = array<i32>} : memref<104x128xf32, #tpu.memory_space<vmem>>, vector<1x16xf32>,
      %swap3A_272 = vector.shape_cast %swap3A_271 : vector<1x16xf32> to vector<16xf32>
      %swap3A_273 = vector.shape_cast %add3A_268 : vector<16xf32> to vector<1x16xf32>
      tpu.vector_store %arg8[%swap3A_269, %swap3A_270], %swap3A_273 {strides = array<i32>} : memref<104x128xf32, #tpu.memory_space<vmem>>, vector<1x16xf32>,
      %get3A_274 = arith.index_cast %scan3A_204 : i32 to index
      %get3A_275 = arith.constant 112 : index
      %get3A_276 = tpu.vector_load %arg8[%get3A_274, %get3A_275] {strides = array<i32>} : memref<104x128xf32, #tpu.memory_space<vmem>>, vector<1x16xf32>,
      %get3A_277 = vector.shape_cast %get3A_276 : vector<1x16xf32> to vector<16xf32>
      %add3A_278 = arith.addf %get3A_277, %get3A_96 : vector<16xf32>
      %swap3A_279 = arith.index_cast %scan3A_204 : i32 to index
      %swap3A_280 = arith.constant 112 : index
      %swap3A_281 = tpu.vector_load %arg8[%swap3A_279, %swap3A_280] {strides = array<i32>} : memref<104x128xf32, #tpu.memory_space<vmem>>, vector<1x16xf32>,
      %swap3A_282 = vector.shape_cast %swap3A_281 : vector<1x16xf32> to vector<16xf32>
      %swap3A_283 = vector.shape_cast %add3A_278 : vector<16xf32> to vector<1x16xf32>
      tpu.vector_store %arg8[%swap3A_279, %swap3A_280], %swap3A_283 {strides = array<i32>} : memref<104x128xf32, #tpu.memory_space<vmem>>, vector<1x16xf32>,
    }
    %scan3A_135 = arith.constant 48 : i32
    %add3A_136 = arith.constant 48 : i32
    %add3A_137 = arith.addi %add3A_35, %add3A_136 : i32
    %dma_start3A_138 = arith.constant 48 : i32
    %dma_start3A_139 = arith.constant 0 : i32
    %dma_start3A_140 = tpu.memref_slice %arg8[%dma_start3A_138, %dma_start3A_139] : memref<104x128xf32, #tpu.memory_space<vmem>> -> memref<48x128xf32, #tpu.memory_space<vmem>>
    %dma_start3A_141 = arith.constant 0 : i32
    %dma_start3A_142 = tpu.memref_slice %arg5[%add3A_137, %dma_start3A_141] : memref<3200x128xf32, #tpu.memory_space<hbm>> -> memref<48x128xf32, #tpu.memory_space<hbm>>
    %dma_start3A_143 = arith.constant 0 : i32
    %dma_start3A_144 = tpu.memref_slice %arg5[%add3A_137, %dma_start3A_143] : memref<3200x128xf32, #tpu.memory_space<hbm>> -> memref<48x128xf32, #tpu.memory_space<hbm>>
    %dma_start3A_145 = arith.constant 48 : i32
    %dma_start3A_146 = arith.constant 0 : i32
    %dma_start3A_147 = tpu.memref_slice %arg8[%dma_start3A_145, %dma_start3A_146] : memref<104x128xf32, #tpu.memory_space<vmem>> -> memref<48x128xf32, #tpu.memory_space<vmem>>
    tpu.enqueue_dma source(%dma_start3A_147 : memref<48x128xf32, #tpu.memory_space<vmem>>) target(%dma_start3A_144 : memref<48x128xf32, #tpu.memory_space<hbm>>) target_semaphore(%arg13 : memref<!tpu.dma_semaphore, #tpu.memory_space<semaphore_mem>>)
    %dma_wait3A_148 = arith.constant 96 : i32
    %dma_wait3A_149 = arith.constant 0 : i32
    %dma_wait3A_150 = tpu.memref_slice %arg8[%dma_wait3A_148, %dma_wait3A_149] : memref<104x128xf32, #tpu.memory_space<vmem>> -> memref<8x128xf32, #tpu.memory_space<vmem>>
    %dma_wait3A_151 = arith.constant 96 : i32
    %dma_wait3A_152 = tpu.memref_slice %arg6[%dma_wait3A_151] : memref<104xi32, #tpu.memory_space<vmem>> -> memref<8xi32, #tpu.memory_space<vmem>>
    %dma_wait3A_153 = arith.constant 0 : i32
    %dma_wait3A_154 = arith.constant 0 : i32
    %dma_wait3A_155 = tpu.memref_slice %arg4[%dma_wait3A_153, %dma_wait3A_154] : memref<100000x128xf32, #tpu.memory_space<hbm>> -> memref<100000x128xf32, #tpu.memory_space<hbm>>
    tpu.wait_indirect_dma semaphore(%arg11 : memref<!tpu.dma_semaphore, #tpu.memory_space<semaphore_mem>>) src(%dma_wait3A_155 : memref<100000x128xf32, #tpu.memory_space<hbm>>) dst(%dma_wait3A_150 : memref<8x128xf32, #tpu.memory_space<vmem>>)
    %scan3A_156 = arith.constant 0 : i32
    %scan3A_157 = arith.constant 96 : i32
    %scan3A_158 = arith.constant 8 : i32
    %scan3A_159 = arith.addi %scan3A_157, %scan3A_158 : i32
    %scan3A_160 = arith.constant 1 : i32
    scf.for %scan3A_204 = %scan3A_157 to %scan3A_159 step %scan3A_160  : i32 {
      %get3A_205 = arith.index_cast %scan3A_204 : i32 to index
      %get3A_206 = arith.constant 0 : index
      %get3A_207 = tpu.vector_load %arg8[%get3A_205, %get3A_206] {strides = array<i32>} : memref<104x128xf32, #tpu.memory_space<vmem>>, vector<1x16xf32>,
      %get3A_208 = vector.shape_cast %get3A_207 : vector<1x16xf32> to vector<16xf32>
      %add3A_209 = arith.addf %get3A_208, %get3A_75 : vector<16xf32>
      %swap3A = arith.index_cast %scan3A_204 : i32 to index
      %swap3A_210 = arith.constant 0 : index
      %swap3A_211 = tpu.vector_load %arg8[%swap3A, %swap3A_210] {strides = array<i32>} : memref<104x128xf32, #tpu.memory_space<vmem>>, vector<1x16xf32>,
      %swap3A_212 = vector.shape_cast %swap3A_211 : vector<1x16xf32> to vector<16xf32>
      %swap3A_213 = vector.shape_cast %add3A_209 : vector<16xf32> to vector<1x16xf32>
      tpu.vector_store %arg8[%swap3A, %swap3A_210], %swap3A_213 {strides = array<i32>} : memref<104x128xf32, #tpu.memory_space<vmem>>, vector<1x16xf32>,
      %get3A_214 = arith.index_cast %scan3A_204 : i32 to index
      %get3A_215 = arith.constant 16 : index
      %get3A_216 = tpu.vector_load %arg8[%get3A_214, %get3A_215] {strides = array<i32>} : memref<104x128xf32, #tpu.memory_space<vmem>>, vector<1x16xf32>,
      %get3A_217 = vector.shape_cast %get3A_216 : vector<1x16xf32> to vector<16xf32>
      %add3A_218 = arith.addf %get3A_217, %get3A_78 : vector<16xf32>
      %swap3A_219 = arith.index_cast %scan3A_204 : i32 to index
      %swap3A_220 = arith.constant 16 : index
      %swap3A_221 = tpu.vector_load %arg8[%swap3A_219, %swap3A_220] {strides = array<i32>} : memref<104x128xf32, #tpu.memory_space<vmem>>, vector<1x16xf32>,
      %swap3A_222 = vector.shape_cast %swap3A_221 : vector<1x16xf32> to vector<16xf32>
      %swap3A_223 = vector.shape_cast %add3A_218 : vector<16xf32> to vector<1x16xf32>
      tpu.vector_store %arg8[%swap3A_219, %swap3A_220], %swap3A_223 {strides = array<i32>} : memref<104x128xf32, #tpu.memory_space<vmem>>, vector<1x16xf32>,
      %get3A_224 = arith.index_cast %scan3A_204 : i32 to index
      %get3A_225 = arith.constant 32 : index
      %get3A_226 = tpu.vector_load %arg8[%get3A_224, %get3A_225] {strides = array<i32>} : memref<104x128xf32, #tpu.memory_space<vmem>>, vector<1x16xf32>,
      %get3A_227 = vector.shape_cast %get3A_226 : vector<1x16xf32> to vector<16xf32>
      %add3A_228 = arith.addf %get3A_227, %get3A_81 : vector<16xf32>
      %swap3A_229 = arith.index_cast %scan3A_204 : i32 to index
      %swap3A_230 = arith.constant 32 : index
      %swap3A_231 = tpu.vector_load %arg8[%swap3A_229, %swap3A_230] {strides = array<i32>} : memref<104x128xf32, #tpu.memory_space<vmem>>, vector<1x16xf32>,
      %swap3A_232 = vector.shape_cast %swap3A_231 : vector<1x16xf32> to vector<16xf32>
      %swap3A_233 = vector.shape_cast %add3A_228 : vector<16xf32> to vector<1x16xf32>
      tpu.vector_store %arg8[%swap3A_229, %swap3A_230], %swap3A_233 {strides = array<i32>} : memref<104x128xf32, #tpu.memory_space<vmem>>, vector<1x16xf32>,
      %get3A_234 = arith.index_cast %scan3A_204 : i32 to index
      %get3A_235 = arith.constant 48 : index
      %get3A_236 = tpu.vector_load %arg8[%get3A_234, %get3A_235] {strides = array<i32>} : memref<104x128xf32, #tpu.memory_space<vmem>>, vector<1x16xf32>,
      %get3A_237 = vector.shape_cast %get3A_236 : vector<1x16xf32> to vector<16xf32>
      %add3A_238 = arith.addf %get3A_237, %get3A_84 : vector<16xf32>
      %swap3A_239 = arith.index_cast %scan3A_204 : i32 to index
      %swap3A_240 = arith.constant 48 : index
      %swap3A_241 = tpu.vector_load %arg8[%swap3A_239, %swap3A_240] {strides = array<i32>} : memref<104x128xf32, #tpu.memory_space<vmem>>, vector<1x16xf32>,
      %swap3A_242 = vector.shape_cast %swap3A_241 : vector<1x16xf32> to vector<16xf32>
      %swap3A_243 = vector.shape_cast %add3A_238 : vector<16xf32> to vector<1x16xf32>
      tpu.vector_store %arg8[%swap3A_239, %swap3A_240], %swap3A_243 {strides = array<i32>} : memref<104x128xf32, #tpu.memory_space<vmem>>, vector<1x16xf32>,
      %get3A_244 = arith.index_cast %scan3A_204 : i32 to index
      %get3A_245 = arith.constant 64 : index
      %get3A_246 = tpu.vector_load %arg8[%get3A_244, %get3A_245] {strides = array<i32>} : memref<104x128xf32, #tpu.memory_space<vmem>>, vector<1x16xf32>,
      %get3A_247 = vector.shape_cast %get3A_246 : vector<1x16xf32> to vector<16xf32>
      %add3A_248 = arith.addf %get3A_247, %get3A_87 : vector<16xf32>
      %swap3A_249 = arith.index_cast %scan3A_204 : i32 to index
      %swap3A_250 = arith.constant 64 : index
      %swap3A_251 = tpu.vector_load %arg8[%swap3A_249, %swap3A_250] {strides = array<i32>} : memref<104x128xf32, #tpu.memory_space<vmem>>, vector<1x16xf32>,
      %swap3A_252 = vector.shape_cast %swap3A_251 : vector<1x16xf32> to vector<16xf32>
      %swap3A_253 = vector.shape_cast %add3A_248 : vector<16xf32> to vector<1x16xf32>
      tpu.vector_store %arg8[%swap3A_249, %swap3A_250], %swap3A_253 {strides = array<i32>} : memref<104x128xf32, #tpu.memory_space<vmem>>, vector<1x16xf32>,
      %get3A_254 = arith.index_cast %scan3A_204 : i32 to index
      %get3A_255 = arith.constant 80 : index
      %get3A_256 = tpu.vector_load %arg8[%get3A_254, %get3A_255] {strides = array<i32>} : memref<104x128xf32, #tpu.memory_space<vmem>>, vector<1x16xf32>,
      %get3A_257 = vector.shape_cast %get3A_256 : vector<1x16xf32> to vector<16xf32>
      %add3A_258 = arith.addf %get3A_257, %get3A_90 : vector<16xf32>
      %swap3A_259 = arith.index_cast %scan3A_204 : i32 to index
      %swap3A_260 = arith.constant 80 : index
      %swap3A_261 = tpu.vector_load %arg8[%swap3A_259, %swap3A_260] {strides = array<i32>} : memref<104x128xf32, #tpu.memory_space<vmem>>, vector<1x16xf32>,
      %swap3A_262 = vector.shape_cast %swap3A_261 : vector<1x16xf32> to vector<16xf32>
      %swap3A_263 = vector.shape_cast %add3A_258 : vector<16xf32> to vector<1x16xf32>
      tpu.vector_store %arg8[%swap3A_259, %swap3A_260], %swap3A_263 {strides = array<i32>} : memref<104x128xf32, #tpu.memory_space<vmem>>, vector<1x16xf32>,
      %get3A_264 = arith.index_cast %scan3A_204 : i32 to index
      %get3A_265 = arith.constant 96 : index
      %get3A_266 = tpu.vector_load %arg8[%get3A_264, %get3A_265] {strides = array<i32>} : memref<104x128xf32, #tpu.memory_space<vmem>>, vector<1x16xf32>,
      %get3A_267 = vector.shape_cast %get3A_266 : vector<1x16xf32> to vector<16xf32>
      %add3A_268 = arith.addf %get3A_267, %get3A_93 : vector<16xf32>
      %swap3A_269 = arith.index_cast %scan3A_204 : i32 to index
      %swap3A_270 = arith.constant 96 : index
      %swap3A_271 = tpu.vector_load %arg8[%swap3A_269, %swap3A_270] {strides = array<i32>} : memref<104x128xf32, #tpu.memory_space<vmem>>, vector<1x16xf32>,
      %swap3A_272 = vector.shape_cast %swap3A_271 : vector<1x16xf32> to vector<16xf32>
      %swap3A_273 = vector.shape_cast %add3A_268 : vector<16xf32> to vector<1x16xf32>
      tpu.vector_store %arg8[%swap3A_269, %swap3A_270], %swap3A_273 {strides = array<i32>} : memref<104x128xf32, #tpu.memory_space<vmem>>, vector<1x16xf32>,
      %get3A_274 = arith.index_cast %scan3A_204 : i32 to index
      %get3A_275 = arith.constant 112 : index
      %get3A_276 = tpu.vector_load %arg8[%get3A_274, %get3A_275] {strides = array<i32>} : memref<104x128xf32, #tpu.memory_space<vmem>>, vector<1x16xf32>,
      %get3A_277 = vector.shape_cast %get3A_276 : vector<1x16xf32> to vector<16xf32>
      %add3A_278 = arith.addf %get3A_277, %get3A_96 : vector<16xf32>
      %swap3A_279 = arith.index_cast %scan3A_204 : i32 to index
      %swap3A_280 = arith.constant 112 : index
      %swap3A_281 = tpu.vector_load %arg8[%swap3A_279, %swap3A_280] {strides = array<i32>} : memref<104x128xf32, #tpu.memory_space<vmem>>, vector<1x16xf32>,
      %swap3A_282 = vector.shape_cast %swap3A_281 : vector<1x16xf32> to vector<16xf32>
      %swap3A_283 = vector.shape_cast %add3A_278 : vector<16xf32> to vector<1x16xf32>
      tpu.vector_store %arg8[%swap3A_279, %swap3A_280], %swap3A_283 {strides = array<i32>} : memref<104x128xf32, #tpu.memory_space<vmem>>, vector<1x16xf32>,
    }
    %scan3A_161 = arith.constant 8 : i32
    %add3A_162 = arith.constant 96 : i32
    %add3A_163 = arith.addi %add3A_35, %add3A_162 : i32
    %dma_start3A_164 = arith.constant 96 : i32
    %dma_start3A_165 = arith.constant 0 : i32
    %dma_start3A_166 = tpu.memref_slice %arg8[%dma_start3A_164, %dma_start3A_165] : memref<104x128xf32, #tpu.memory_space<vmem>> -> memref<8x128xf32, #tpu.memory_space<vmem>>
    %dma_start3A_167 = arith.constant 0 : i32
    %dma_start3A_168 = tpu.memref_slice %arg5[%add3A_163, %dma_start3A_167] : memref<3200x128xf32, #tpu.memory_space<hbm>> -> memref<8x128xf32, #tpu.memory_space<hbm>>
    %dma_start3A_169 = arith.constant 0 : i32
    %dma_start3A_170 = tpu.memref_slice %arg5[%add3A_163, %dma_start3A_169] : memref<3200x128xf32, #tpu.memory_space<hbm>> -> memref<8x128xf32, #tpu.memory_space<hbm>>
    %dma_start3A_171 = arith.constant 96 : i32
    %dma_start3A_172 = arith.constant 0 : i32
    %dma_start3A_173 = tpu.memref_slice %arg8[%dma_start3A_171, %dma_start3A_172] : memref<104x128xf32, #tpu.memory_space<vmem>> -> memref<8x128xf32, #tpu.memory_space<vmem>>
    tpu.enqueue_dma source(%dma_start3A_173 : memref<8x128xf32, #tpu.memory_space<vmem>>) target(%dma_start3A_170 : memref<8x128xf32, #tpu.memory_space<hbm>>) target_semaphore(%arg14 : memref<!tpu.dma_semaphore, #tpu.memory_space<semaphore_mem>>)
    %dma_wait3A_174 = arith.constant 0 : i32
    %dma_wait3A_175 = arith.constant 0 : i32
    %dma_wait3A_176 = tpu.memref_slice %arg8[%dma_wait3A_174, %dma_wait3A_175] : memref<104x128xf32, #tpu.memory_space<vmem>> -> memref<48x128xf32, #tpu.memory_space<vmem>>
    %dma_wait3A_177 = arith.constant 0 : i32
    %dma_wait3A_178 = tpu.memref_slice %arg5[%add3A_111, %dma_wait3A_177] : memref<3200x128xf32, #tpu.memory_space<hbm>> -> memref<48x128xf32, #tpu.memory_space<hbm>>
    %dma_wait3A_179 = arith.constant 0 : i32
    %dma_wait3A_180 = tpu.memref_slice %arg5[%add3A_111, %dma_wait3A_179] : memref<3200x128xf32, #tpu.memory_space<hbm>> -> memref<48x128xf32, #tpu.memory_space<hbm>>
    %dma_wait3A_181 = arith.constant 0 : i32
    %dma_wait3A_182 = arith.constant 0 : i32
    %dma_wait3A_183 = tpu.memref_slice %arg8[%dma_wait3A_181, %dma_wait3A_182] : memref<104x128xf32, #tpu.memory_space<vmem>> -> memref<48x128xf32, #tpu.memory_space<vmem>>
    tpu.wait_dma2 semaphore(%arg12 : memref<!tpu.dma_semaphore, #tpu.memory_space<semaphore_mem>>) src(%dma_wait3A_183 : memref<48x128xf32, #tpu.memory_space<vmem>>) dst(%dma_wait3A_180 : memref<48x128xf32, #tpu.memory_space<hbm>>)
    %dma_wait3A_184 = arith.constant 48 : i32
    %dma_wait3A_185 = arith.constant 0 : i32
    %dma_wait3A_186 = tpu.memref_slice %arg8[%dma_wait3A_184, %dma_wait3A_185] : memref<104x128xf32, #tpu.memory_space<vmem>> -> memref<48x128xf32, #tpu.memory_space<vmem>>
    %dma_wait3A_187 = arith.constant 0 : i32
    %dma_wait3A_188 = tpu.memref_slice %arg5[%add3A_137, %dma_wait3A_187] : memref<3200x128xf32, #tpu.memory_space<hbm>> -> memref<48x128xf32, #tpu.memory_space<hbm>>
    %dma_wait3A_189 = arith.constant 0 : i32
    %dma_wait3A_190 = tpu.memref_slice %arg5[%add3A_137, %dma_wait3A_189] : memref<3200x128xf32, #tpu.memory_space<hbm>> -> memref<48x128xf32, #tpu.memory_space<hbm>>
    %dma_wait3A_191 = arith.constant 48 : i32
    %dma_wait3A_192 = arith.constant 0 : i32
    %dma_wait3A_193 = tpu.memref_slice %arg8[%dma_wait3A_191, %dma_wait3A_192] : memref<104x128xf32, #tpu.memory_space<vmem>> -> memref<48x128xf32, #tpu.memory_space<vmem>>
    tpu.wait_dma2 semaphore(%arg13 : memref<!tpu.dma_semaphore, #tpu.memory_space<semaphore_mem>>) src(%dma_wait3A_193 : memref<48x128xf32, #tpu.memory_space<vmem>>) dst(%dma_wait3A_190 : memref<48x128xf32, #tpu.memory_space<hbm>>)
    %dma_wait3A_194 = arith.constant 96 : i32
    %dma_wait3A_195 = arith.constant 0 : i32
    %dma_wait3A_196 = tpu.memref_slice %arg8[%dma_wait3A_194, %dma_wait3A_195] : memref<104x128xf32, #tpu.memory_space<vmem>> -> memref<8x128xf32, #tpu.memory_space<vmem>>
    %dma_wait3A_197 = arith.constant 0 : i32
    %dma_wait3A_198 = tpu.memref_slice %arg5[%add3A_163, %dma_wait3A_197] : memref<3200x128xf32, #tpu.memory_space<hbm>> -> memref<8x128xf32, #tpu.memory_space<hbm>>
    %dma_wait3A_199 = arith.constant 0 : i32
    %dma_wait3A_200 = tpu.memref_slice %arg5[%add3A_163, %dma_wait3A_199] : memref<3200x128xf32, #tpu.memory_space<hbm>> -> memref<8x128xf32, #tpu.memory_space<hbm>>
    %dma_wait3A_201 = arith.constant 96 : i32
    %dma_wait3A_202 = arith.constant 0 : i32
    %dma_wait3A_203 = tpu.memref_slice %arg8[%dma_wait3A_201, %dma_wait3A_202] : memref<104x128xf32, #tpu.memory_space<vmem>> -> memref<8x128xf32, #tpu.memory_space<vmem>>
    tpu.wait_dma2 semaphore(%arg14 : memref<!tpu.dma_semaphore, #tpu.memory_space<semaphore_mem>>) src(%dma_wait3A_203 : memref<8x128xf32, #tpu.memory_space<vmem>>) dst(%dma_wait3A_200 : memref<8x128xf32, #tpu.memory_space<hbm>>)
    return
  }
}

</mosaic_0001>

<sc_bundles>
// kernel: kernel.3.cloned.1.call-start
scs
__scs_entry_jumppad:
0x0: {  	(pc) =	sbr.rel $0x88, $3  }
0x1: {  	(tag) =	ssettag $0x0;
	lr =	simm.s32 $0x1  }
0x2: {  	[smem:$0x3F9E] =	sst lr;
	_ =	strace $0xD0000000  }
0x3: {  	_ = 	snop  }
0x4: {  	_ = 	snop  }
0x5: {  	_ = 	snop  }
0x6: {  	_ = 	snop  }
0x7: {  	_ = 	snop  }
__scs_overlays_trampoline_lowered:
0x8: {  	[smem:$0x3FAD] =	sst s0  }
0x9: {  	[smem:$0x3FAE] =	sst s1  }
0xa: {  	[smem:$0x3FAF] =	sst s2  }
0xb: {  	[smem:$0x3FB0] =	sst s3  }
0xc: {  	[smem:$0x3FB1] =	sst s4  }
0xd: {  	[smem:$0x3FB2] =	sst s5  }
0xe: {  	[smem:$0x3FB3] =	sst s6  }
0xf: {  	[smem:$0x3FB4] =	sst s7  }
0x10: {  	[smem:$0x3FB5] =	sst s8  }
0x11: {  	[smem:$0x3FB6] =	sst s9;
	s0 =	simm.s32 @!p0 $0x0  }
0x12: {  	s1 =	sld [smem:$0x3F9C];
	s0 =	simm.s32 @p0 $0x1  }
0x13: {  	[smem:$0x3FB7] =	sst s0;
	s0 =	simm.s32 @!p1 $0x0  }
0x14: {  	s2 =	sld [smem:$0x3F9B];
	s0 =	simm.s32 @p1 $0x1  }
0x15: {  	[smem:$0x3FB8] =	sst s0;
	s0 =	simm.s32 @!p2 $0x0  }
0x16: {  	s3 =	sld [smem:$0x3FDB];
	s0 =	simm.s32 @p2 $0x1  }
0x17: {  	s4 =	simm.s32 $0x1BF5;
	[smem:$0x3FBA] =	sst s0  }
0x18: {  	s0 =	sld [smem:$0x3F9D];
	_ =	swait.ge [sflag:s4], $0x0  }
0x19: {  	s7 =	sld [smem:$0x3F9E]  }
0x1a: {  	s8 =	sadd.s32 $0xFFFFE003, lr  }
0x1b: {  	s9 =	sadd.s32 $0xFFFFFEF7, lr;
	s5 =	simm.s32 $0xFFFFFFFF;
	p2 =	slt.u32 s8, $0xFFFFF086  }
0x1c: {  	p1 =	slt.u32 s9, $0xF7A;
	s5 =	simm.s32 @!p2 $0x0  }
0x1d: {  	s5 =	simm.s32 @p1 $0x1;
	p0 =	seq.s32 s7, s2  }
0x1e: {  	s7 =	smul.u32 @!p0 $0xF7A, s2;
	p2 =	seq.s32 @!p0 s5, $0x0  }
0x1f: {  	s9 =	smul.u32 $0xF7A, s1;
	s8 =	simm.s32 @!p0 $0x1BF5;
	p2 =	por !p2, p0  }
0x20: {  	[sflag:s8] =	ssyncset.s32 @!p0 $0xFFFFF086;
	s6 =	sadd.s32 @!p0 s3, s7;
	s7 =	simm.s32 @!p0 $0x108  }
0x21: {  	s3 =	sadd.s32 s3, s9;
	s6 =	sadd.s32 @!p0 $0x88, s6;
	s7 =	simm.s32 @p2 $0x1082  }
0x22: {  	[simem:s7], [sflag:s8] =	dma.local @!p0 [hbm:s6], $0xF7A  }
0x23: {  	s9 =	sor.u32 $0xD0000000, s2;
	s6 =	simm.s32 $0x108;
	_ =	swait.ge @!p0 [sflag:s8], $0x0  }
0x24: {  	s3 =	sadd.s32 $0x88, s3;
	s6 =	simm.s32 @!p1 $0x1082;
	[sflag:s4] =	ssyncset.s32 $0xFFFFF086  }
0x25: {  	[simem:s6], [sflag:s4] =	dma.local [hbm:s3], $0xF7A  }
0x26: {  	[smem:$0x3F9E] =	sst s1;
	(tag) =	ssettag s2;
	_ =	strace s9  }
0x27: {  	s1 =	sld [smem:$0x3FAE]  }
0x28: {  	s2 =	sld [smem:$0x3FAF]  }
0x29: {  	s4 =	sld [smem:$0x3FB1]  }
0x2a: {  	p0 =	seq.s32 s5, $0x0;
	s5 =	sld [smem:$0x3FB2]  }
0x2b: {  	s6 =	sld [smem:$0x3FB3]  }
0x2c: {  	s7 =	sld [smem:$0x3FB4]  }
0x2d: {  	s3 =	simm.s32 $0x108;
	s8 =	sld [smem:$0x3FB5]  }
0x2e: {  	s3 =	simm.s32 @!p0 $0x1082;
	s9 =	sld [smem:$0x3FB6]  }
0x2f: {  	lr =	sadd.s32 s0, s3;
	s0 =	sld [smem:$0x3FAD]  }
0x30: {  	s3 =	sld [smem:$0x3FB0]  }
0x31: {  	[smem:$0x3FB9] =	sst s10  }
0x32: {  	s10 =	sld [smem:$0x3FB7];
	_ =	sdelay $0x3  }
0x33: {  	p0 =	seq.s32 s10, $0x1;
	s10 =	sld [smem:$0x3FB9];
	_ =	sdelay $0x3  }
0x34: {  	[smem:$0x3FB9] =	sst s10  }
0x35: {  	s10 =	sld [smem:$0x3FB8];
	_ =	sdelay $0x3  }
0x36: {  	p1 =	seq.s32 s10, $0x1;
	s10 =	sld [smem:$0x3FB9];
	_ =	sdelay $0x3  }
0x37: {  	[smem:$0x3FB9] =	sst s10  }
0x38: {  	s10 =	sld [smem:$0x3FBA]  }
0x39: {  	_ = 	snop;
	(pc) =	sbr.ind lr, $3  }
0x3a: {  	_ = 	snop  }
0x3b: {  	_ = 	snop  }
0x3c: {  	p2 =	seq.s32 s10, $0x1;
	s10 =	sld [smem:$0x3FB9]  }
0x3d: {  	_ =	shalt  }
0x3e: {  	_ =	shalt  }
0x3f: {  	_ =	shalt  }
0x40: {  	_ =	shalt  }
0x41: {  	_ =	shalt  }
0x42: {  	_ =	shalt  }
0x43: {  	_ =	shalt  }
0x44: {  	_ =	shalt  }
0x45: {  	_ =	shalt  }
0x46: {  	_ =	shalt  }
0x47: {  	_ =	shalt  }
0x48: {  	_ =	shalt  }
0x49: {  	_ =	shalt  }
0x4a: {  	_ =	shalt  }
0x4b: {  	_ =	shalt  }
0x4c: {  	_ =	shalt  }
0x4d: {  	_ =	shalt  }
0x4e: {  	_ =	shalt  }
0x4f: {  	_ =	shalt  }
0x50: {  	_ =	shalt  }
0x51: {  	_ =	shalt  }
0x52: {  	_ =	shalt  }
0x53: {  	_ =	shalt  }
0x54: {  	_ =	shalt  }
0x55: {  	_ =	shalt  }
0x56: {  	_ =	shalt  }
0x57: {  	_ =	shalt  }
0x58: {  	_ =	shalt  }
0x59: {  	_ =	shalt  }
0x5a: {  	_ =	shalt  }
0x5b: {  	_ =	shalt  }
0x5c: {  	_ =	shalt  }
0x5d: {  	_ =	shalt  }
0x5e: {  	_ =	shalt  }
0x5f: {  	_ =	shalt  }
0x60: {  	_ =	shalt  }
0x61: {  	_ =	shalt  }
0x62: {  	_ =	shalt  }
0x63: {  	_ =	shalt  }
0x64: {  	_ =	shalt  }
0x65: {  	_ =	shalt  }
0x66: {  	_ =	shalt  }
0x67: {  	_ =	shalt  }
0x68: {  	_ =	shalt  }
0x69: {  	_ =	shalt  }
0x6a: {  	_ =	shalt  }
0x6b: {  	_ =	shalt  }
0x6c: {  	_ =	shalt  }
0x6d: {  	_ =	shalt  }
0x6e: {  	_ =	shalt  }
0x6f: {  	_ =	shalt  }
0x70: {  	_ =	shalt  }
0x71: {  	_ =	shalt  }
0x72: {  	_ =	shalt  }
0x73: {  	_ =	shalt  }
0x74: {  	_ =	shalt  }
0x75: {  	_ =	shalt  }
0x76: {  	_ =	shalt  }
0x77: {  	_ =	shalt  }
0x78: {  	_ =	shalt  }
0x79: {  	_ =	shalt  }
0x7a: {  	_ =	shalt  }
0x7b: {  	_ =	shalt  }
0x7c: {  	_ =	shalt  }
0x7d: {  	_ =	shalt  }
0x7e: {  	_ =	shalt  }
0x7f: {  	_ =	shalt  }
0x80: {  	_ =	shalt  }
0x81: {  	_ =	shalt  }
0x82: {  	_ =	shalt  }
0x83: {  	_ =	shalt  }
0x84: {  	_ =	shalt  }
0x85: {  	_ =	shalt  }
0x86: {  	_ =	shalt  }
0x87: {  	_ =	shalt  }
.Lfunc_end0:
.L_simem_size_0:
called_computation_lowered:
.L_overlay_start_0:
0x88: {  	s2 =	sld [smem:$0x3FD9]  }
0x89: {  	s3 =	sld [smem:$0x3FFE];
	_ =	sdelay $0x1  }
0x8a: {  	s1 =	srdreg.scid  }
0x8b: {  	s0 =	sand.u32 $0x1, s1  }
0x8c: {  	s17 =	sshll.u32 s0, $0xA;
	s2 =	sadd.s32 s3, s2  }
0x8d: {  	s2 =	sadd.s32 s2, s17  }
0x8e: {  	[smem:$0x3FC5] =	sst s2  }
0x8f: {  	_ = 	snop  }
0x90: {  	s2 =	sld [smem:$0x3FC8]  }
0x91: {  	s18 =	sld [smem:$0x3FD0];
	(tm) =	ssettm $0x1  }
0x92: {  	s4 =	sld [smem:$0x3FFB];
	_ =	sdelay $0x3  }
0x93: {  	_ =	strace s4  }
0x94: {  	s4 =	sld [smem:$0x3FFC];
	_ =	sdelay $0x3  }
0x95: {  	_ =	strace s4  }
0x96: {  	s4 =	sld [smem:$0x3FFD];
	_ =	sdelay $0x3  }
0x97: {  	_ =	strace s4  }
0x98: {  	_ =	strace $0x8FFFFFFF  }
0x99: {  	s19 =	sld [smem:$0x3FDB];
	_ =	sdelay $0x1  }
0x9a: {  	s5 =	simm.s32 $_scs_section_size  }
0x9b: {  	s6 =	simm.s32 $_size__tile_overlayer_lowered;
	s7 =	simm.s32 $_tile_overlayer_lowered  }
0x9c: {  	s22 =	simm.s32 $0x1BFF;
	s21 =	sshll.u32 s7, $0x1;
	s4 =	sadd.s32 s5, s19  }
0x9d: {  	s8 =	simm.s32 $0x0;
	s20 =	sshll.u32 s6, $0x1;
	s6 =	sadd.s32 s21, s4  }
0x9e: {  	[timem:s8], [sflag:s22] =	dma.local [hbm:s6], s20  }
0x9f: {  	_ =	swait.ge [sflag:s22], s20  }
0xa0: {  	s5 =	ssub.s32 $0x0, s20;
	[sflag:s22] =	ssyncset.done $0x0  }
0xa1: {  	[sflag:s22] =	ssyncadd.s32 s5;
	_ =	sdelay $0x1  }
0xa2: {  	s23 =	simm.s32 $0x1B8B  }
0xa3: {  	_ =	swait.ge [sflag:s23], $0x1  }
0xa4: {  	[sflag:s23] =	ssyncset.done $0x0  }
0xa5: {  	s25 =	simm.s32 $0x1B8E;
	s24 =	sld [smem:$0x3FFE];
	[sflag:s23] =	ssyncadd.s32 $0xFFFFFFFF  }
0xa6: {  	s26 =	simm.s32 $execute0_lowered;
	[smem:$0x3FD2] =	sst s25  }
0xa7: {  	s6 =	sshll.u32 s26, $0x1;
	_ =	strace $0x80000046;
	[dreg:$0x1] =	wrdreg $0xFFFFFFFF  }
0xa8: {  	s28 =	simm.s32 $_size_execute0_lowered;
	s4 =	sadd.s32 s4, s6;
	[dreg:$0x0] =	wrdreg $0x0  }
0xa9: {  	s6 =	sshll.u32 s28, $0x1;
	[dreg:$0x2] =	wrdreg s4  }
0xaa: {  	[dreg:$0x3] =	wrdreg s6  }
0xab: {  	[dreg:$0x4] =	wrdreg $0xC0  }
0xac: {  	_ =	task [dreg:s8], $0x5FFFF  }
0xad: {  	[dreg:$0x1] =	wrdreg $0xFFFFFFFF  }
0xae: {  	[dreg:$0x0] =	wrdreg $0x60  }
0xaf: {  	[dreg:$0x2] =	wrdreg s24  }
0xb0: {  	[dreg:$0x3] =	wrdreg s2  }
0xb1: {  	[dreg:$0x4] =	wrdreg s18  }
0xb2: {  	[dreg:$0x5] =	wrdreg $0x9  }
0xb3: {  	_ =	task.clear_ibuf [dreg:s8], $0x6FFFF;
	_ =	strace $0x90000046  }
0xb4: {  	s29 =	simm.s32 $0x9;
	_ =	strace $0x80000048  }
0xb5: {  	_ =	swait.ge [sflag:s29], $0x1  }
0xb6: {  	[sflag:s29] =	ssyncadd.s32 $0xFFFFFFFF  }
0xb7: {  	_ =	strace $0x90000048  }
0xb8: {  	_ =	sfence  }
0xb9: {  	s30 =	sld [smem:$0x0];
	_ =	sdelay $0x2  }
0xba: {  	s31 =	sshll.u32 s1, $0xD;
	s1 =	sshrl.u32 s1, $0x2  }
0xbb: {  	s3 =	sand.u32 $0x4000, s31;
	s1 =	sadd.s32 s1, s30  }
0xbc: {  	s0 =	sor.u32 s3, s0;
	s1 =	sshll.u32 s1, $0x11  }
0xbd: {  	s0 =	sor.u32 s1, s0  }
0xbe: {  	s0 =	sadd.s32 $0x8F2B, s0  }
0xbf: {  	[sflag:s0] =	ssyncadd.remote.s32 $0x1  }
0xc0: {  	_ =	sfence.sel $0xFFFF  }
0xc1: {  	[dreg:$0x0] =	wrdreg $0xFFFFFFFF;
	(pc) =	sbr.abs _section_cstart, $3  }
0xc2: {  	[dreg:$0x1] =	wrdreg $0xFFFFFFFF  }
0xc3: {  	_ =	task.clear_ibuf [dreg:s8], $0x2FFFF;
	_ =	strace $0x9FFFFFFF  }
0xc4: {  	(tm) =	ssettm $0x7FFFFFFF  }
0xc5: {  	_ =	shalt  }
tec
execute0_lowered:
.L_overlay_start_1:
0x0: {  	(tag) =	ssettag $0x1  }
0x1: {  	s7 =	rddreg [dreg:$0x0]  }
0x2: {  	s1 =	srdreg.scid;
	s2 =	rddreg [dreg:$0x1]  }
0x3: {  	s0 =	stileid.u32;
	s4 =	simm.s32 $0x1;
	s10 =	rddreg [dreg:$0x2]  }
0x4: {  	s3 =	simm.s32 $0x0;
	s11 =	simm.s32 $0x60;
	s5 =	simm.s32 $0x60  }
0x5: {  	s14 =	simm.s32 $0x30;
	s15 =	simm.s32 $0x100;
	s6 =	sand.u32 $0x1, s1  }
0x6: {  	s16 =	simm.s32 $0x1900;
	s17 =	simm.s32 $0x3100;
	s1 =	sor.u32 s6, s0  }
0x7: {  	s18 =	simm.s32 $0x7;
	p0 =	seq.s32 s6, $0x1;
	p1 =	seq.s32 s1, $0x0  }
0x8: {  	s19 =	simm.s32 $0x2;
	s20 =	simm.s32 $0x3;
	p1 =	por !p1, !p0  }
0x9: {  	s21 =	simm.s32 $0x4;
	s22 =	simm.s32 $0x5;
	p1 =	por !p1, !p1  }
0xa: {  	s23 =	simm.s32 $0x6;
	s24 =	simm.s32 $0x0;
	s4 =	simm.s32 @!p1 $0x0  }
0xb: {  	[smem:$0x7FF] =	sst s3;
	s6 =	ssub.s32 $0x2, s6;
	s8 =	ssub.s32 s0, s4  }
0xc: {  	s1 =	rddreg [dreg:$0x3];
	s12 =	sshrl.u32 s6, $0x1;
	s9 =	smul.u32 $0xC8, s8  }
0xd: {  	_ =	strace $0x80000047;
	s11 =	simm.s32 @!p0 $0x0;
	s12 =	ssub.s32 s6, s12  }
0xe: {  	s4 =	simm.s32 $0x1;
	s8 =	sshll.u32 s8, $0x4;
	s9 =	sadd.s32 s11, s9  }
0xf: {  	s8 =	sand.u32 $0x1FFFFFF0, s8;
	s11 =	sshrl.u32 s9, $0x3;
	s29 =	sshll.u32 s9, $0x7  }
0x10: {  	s9 =	sshll.u32 s9, $0x4;
	s11 =	sadd.s32 s11, s7;
	s7 =	sadd.s32 s8, s7  }
0x11: {  	s30 =	sadd.s32 $0x1800, s29;
	s13 =	sadd.s32 $0x3000, s29;
	s8 =	sadd.s32 s10, s9  }
0x12: {  	s6 =	sadd.s32 $0x600, s7;
	s7 =	sadd.s32 $0x400, s11;
	s11 =	sshrl.u32 s30, $0x3  }
0x13: {  	s31 =	sshrl.u32 s13, $0x3;
	s13 =	simm.s32 $0x8;
	s9 =	sadd.s32 s10, s11  }
0x14: {  	s10 =	sadd.s32 s10, s31;
	s11 =	smax.u32 s12, $0x1;
	s12 =	simm.s32 $0x80  }
.LBB2_1:
0x15: {  	[tilespmem:s12], [sflag:$0x7] =	stream.linear.gather [hbm4b:s6+s3], $0x80, $0x38;
	[tilespmem:$0x3500] =	vst v63  }
0x16: {  	_ = 	snop  }
0x17: {  	[tilespmem:s3], [sflag:$0x8] =	stream.linear.gather [hbm4b:s7+s3], $0x68, $0x38;
	[tilespmem:$0x3500] =	vst v63  }
0x18: {  	_ =	swait.ge [sflag:s13], $0x68  }
0x19: {  	[sflag:s13] =	ssyncset.done $0x0  }
0x1a: {  	[sflag:s13] =	ssyncadd.s32 $0xFFFFFF98  }
0x1b: {  	[tilespmem:s15], [sflag:$0x1] =	stream.indirect.gather [hbm4b:s2+s14], $0x80, s3, s14, $0xb8;
	[tilespmem:$0x3500] =	vst v63  }
0x1c: {  	_ = 	snop  }
0x1d: {  	[tilespmem:s16], [sflag:$0x2] =	stream.indirect.gather [hbm4b:s2+s14], $0x80, s14, s14, $0xb8;
	[tilespmem:$0x3500] =	vst v63  }
0x1e: {  	_ = 	snop  }
0x1f: {  	[tilespmem:s17], [sflag:$0x3] =	stream.indirect.gather [hbm4b:s2+s13], $0x80, s5, s13, $0xb8;
	[tilespmem:$0x3500] =	vst v63  }
0x20: {  	_ =	swait.ge [sflag:s18], $0x80  }
0x21: {  	[sflag:s18] =	ssyncset.done $0x0  }
0x22: {  	[sflag:s18] =	ssyncadd.s32 $0xFFFFFF80  }
0x23: {  	v6 =	vld [tilespmem:$0x80]  }
0x24: {  	v7 =	vld [tilespmem:$0x90]  }
0x25: {  	v5 =	vld [tilespmem:$0xA0]  }
0x26: {  	v4 =	vld [tilespmem:$0xB0]  }
0x27: {  	v3 =	vld [tilespmem:$0xC0]  }
0x28: {  	v2 =	vld [tilespmem:$0xD0]  }
0x29: {  	v1 =	vld [tilespmem:$0xE0]  }
0x2a: {  	v0 =	vld [tilespmem:$0xF0];
	_ =	swait.ge [sflag:s4], $0x1800  }
0x2b: {  	[sflag:s4] =	ssyncset.done $0x0  }
0x2c: {  	s25 =	simm.s32 $0x0;
	[sflag:s4] =	ssyncadd.s32 $0xFFFFE800  }
0x2d: {  	v11 =	vld [tilespmem:s25+$0x100]  }
0x2e: {  	v13 =	vld [tilespmem:s25+$0x110]  }
0x2f: {  	v12 =	vld [tilespmem:s25+$0x120]  }
0x30: {  	v10 =	vld [tilespmem:s25+$0x130]  }
0x31: {  	v8 =	vld [tilespmem:s25+$0x140]  }
0x32: {  	v9 =	vld [tilespmem:s25+$0x150];
	v14 =	vadd.f32 v11, v6  }
0x33: {  	s26 =	simm.s32 $0x200;
	v13 =	vadd.f32 v13, v7;
	v11 =	vld [tilespmem:s25+$0x160]  }
.LBB2_2:
0x34: {  	s28 =	sshra.s32 s26, $0x2;
	p0 =	sne.s32 s26, $0x5E00;
	[tilespmem:s25+$0x100] =	vst v14;
	v12 =	vadd.f32 v12, v5;
	v14 =	vld [tilespmem:s25+$0x170]  }
0x35: {  	v15 =	vld [tilespmem:s28+$0x100];
	[tilespmem:s25+$0x110] =	vst v13;
	v10 =	vadd.f32 v10, v4  }
0x36: {  	v13 =	vld [tilespmem:s28+$0x110];
	[tilespmem:s25+$0x120] =	vst v12;
	v8 =	vadd.f32 v8, v3  }
.Ltmp0:
0x37: {  	v12 =	vld [tilespmem:s28+$0x120];
	[tilespmem:s25+$0x130] =	vst v10;
	v9 =	vadd.f32 v9, v2;
	(pc) =	sbr.rel @p0 .LBB2_2-.Ltmp0, $4  }
0x38: {  	v10 =	vld [tilespmem:s28+$0x130];
	[tilespmem:s25+$0x140] =	vst v8;
	v11 =	vadd.f32 v11, v1  }
0x39: {  	v8 =	vld [tilespmem:s28+$0x140];
	[tilespmem:s25+$0x150] =	vst v9;
	v16 =	vadd.f32 v14, v0  }
0x3a: {  	v14 =	vadd.f32 v15, v6;
	v9 =	vld [tilespmem:s28+$0x150];
	[tilespmem:s25+$0x160] =	vst v11  }
0x3b: {  	s26 =	sadd.s32 $0x200, s26;
	v13 =	vadd.f32 v13, v7;
	v11 =	vld [tilespmem:s28+$0x160];
	[tilespmem:s25+$0x170] =	vst v16;
	s25 =	smov.u32 s28  }
0x3c: {  	[tilespmem:s25+$0x100] =	vst v14;
	v12 =	vadd.f32 v12, v5;
	v14 =	vld [tilespmem:s25+$0x170]  }
0x3d: {  	[tilespmem:s25+$0x110] =	vst v13;
	v10 =	vadd.f32 v10, v4  }
0x3e: {  	[tilespmem:s25+$0x120] =	vst v12;
	v8 =	vadd.f32 v8, v3  }
0x3f: {  	[tilespmem:s25+$0x130] =	vst v10;
	v9 =	vadd.f32 v9, v2  }
0x40: {  	[tilespmem:s25+$0x140] =	vst v8;
	v8 =	vadd.f32 v11, v1  }
0x41: {  	[tilespmem:s25+$0x150] =	vst v9;
	v9 =	vadd.f32 v14, v0  }
0x42: {  	[tilespmem:s25+$0x160] =	vst v8  }
0x43: {  	s31 =	simm.s32 $0x0;
	[tilespmem:s25+$0x170] =	vst v9  }
0x44: {  	[hbm4b:s8+s31] =	stream.linear.scatter [tilespmem:s15], [sflag:$0x4], $0x1800, $0x38;
	[tilespmem:$0x3500] =	vst v63  }
0x45: {  	_ =	swait.ge [sflag:s19], $0x1800  }
0x46: {  	[sflag:s19] =	ssyncset.done $0x0  }
0x47: {  	s25 =	simm.s32 $0x0;
	[sflag:s19] =	ssyncadd.s32 $0xFFFFE800  }
0x48: {  	v11 =	vld [tilespmem:s25+$0x1900]  }
0x49: {  	v13 =	vld [tilespmem:s25+$0x1910]  }
0x4a: {  	v12 =	vld [tilespmem:s25+$0x1920]  }
0x4b: {  	v10 =	vld [tilespmem:s25+$0x1930]  }
0x4c: {  	v8 =	vld [tilespmem:s25+$0x1940]  }
0x4d: {  	v9 =	vld [tilespmem:s25+$0x1950];
	v14 =	vadd.f32 v11, v6  }
0x4e: {  	s26 =	simm.s32 $0x200;
	v13 =	vadd.f32 v13, v7;
	v11 =	vld [tilespmem:s25+$0x1960]  }
.LBB2_4:
0x4f: {  	s28 =	sshra.s32 s26, $0x2;
	p0 =	sne.s32 s26, $0x5E00;
	[tilespmem:s25+$0x1900] =	vst v14;
	v12 =	vadd.f32 v12, v5;
	v14 =	vld [tilespmem:s25+$0x1970]  }
0x50: {  	v15 =	vld [tilespmem:s28+$0x1900];
	[tilespmem:s25+$0x1910] =	vst v13;
	v10 =	vadd.f32 v10, v4  }
0x51: {  	v13 =	vld [tilespmem:s28+$0x1910];
	[tilespmem:s25+$0x1920] =	vst v12;
	v8 =	vadd.f32 v8, v3  }
.Ltmp1:
0x52: {  	v12 =	vld [tilespmem:s28+$0x1920];
	[tilespmem:s25+$0x1930] =	vst v10;
	v9 =	vadd.f32 v9, v2;
	(pc) =	sbr.rel @p0 .LBB2_4-.Ltmp1, $4  }
0x53: {  	v10 =	vld [tilespmem:s28+$0x1930];
	[tilespmem:s25+$0x1940] =	vst v8;
	v11 =	vadd.f32 v11, v1  }
0x54: {  	v8 =	vld [tilespmem:s28+$0x1940];
	[tilespmem:s25+$0x1950] =	vst v9;
	v16 =	vadd.f32 v14, v0  }
0x55: {  	v14 =	vadd.f32 v15, v6;
	v9 =	vld [tilespmem:s28+$0x1950];
	[tilespmem:s25+$0x1960] =	vst v11  }
0x56: {  	s26 =	sadd.s32 $0x200, s26;
	v13 =	vadd.f32 v13, v7;
	v11 =	vld [tilespmem:s28+$0x1960];
	[tilespmem:s25+$0x1970] =	vst v16;
	s25 =	smov.u32 s28  }
0x57: {  	[tilespmem:s25+$0x1900] =	vst v14;
	v12 =	vadd.f32 v12, v5;
	v14 =	vld [tilespmem:s25+$0x1970]  }
0x58: {  	[tilespmem:s25+$0x1910] =	vst v13;
	v10 =	vadd.f32 v10, v4  }
0x59: {  	[tilespmem:s25+$0x1920] =	vst v12;
	v8 =	vadd.f32 v8, v3  }
0x5a: {  	[tilespmem:s25+$0x1930] =	vst v10;
	v9 =	vadd.f32 v9, v2  }
0x5b: {  	[tilespmem:s25+$0x1940] =	vst v8;
	v8 =	vadd.f32 v11, v1  }
0x5c: {  	[tilespmem:s25+$0x1950] =	vst v9;
	v9 =	vadd.f32 v14, v0  }
0x5d: {  	[tilespmem:s25+$0x1960] =	vst v8  }
0x5e: {  	s31 =	simm.s32 $0x0;
	[tilespmem:s25+$0x1970] =	vst v9  }
0x5f: {  	[hbm4b:s9+s31] =	stream.linear.scatter [tilespmem:s16], [sflag:$0x5], $0x1800, $0x38;
	[tilespmem:$0x3500] =	vst v63  }
0x60: {  	_ =	swait.ge [sflag:s20], $0x400  }
0x61: {  	[sflag:s20] =	ssyncset.done $0x0  }
0x62: {  	s25 =	simm.s32 $0x0;
	[sflag:s20] =	ssyncadd.s32 $0xFFFFFC00  }
0x63: {  	v11 =	vld [tilespmem:s25+$0x3100]  }
0x64: {  	v13 =	vld [tilespmem:s25+$0x3110]  }
0x65: {  	v12 =	vld [tilespmem:s25+$0x3120]  }
0x66: {  	v10 =	vld [tilespmem:s25+$0x3130]  }
0x67: {  	v8 =	vld [tilespmem:s25+$0x3140]  }
0x68: {  	v9 =	vld [tilespmem:s25+$0x3150];
	v14 =	vadd.f32 v11, v6  }
0x69: {  	s26 =	simm.s32 $0x200;
	v13 =	vadd.f32 v13, v7;
	v11 =	vld [tilespmem:s25+$0x3160]  }
.LBB2_6:
0x6a: {  	s28 =	sshra.s32 s26, $0x2;
	p0 =	sne.s32 s26, $0xE00;
	[tilespmem:s25+$0x3100] =	vst v14;
	v12 =	vadd.f32 v12, v5;
	v14 =	vld [tilespmem:s25+$0x3170]  }
0x6b: {  	v15 =	vld [tilespmem:s28+$0x3100];
	[tilespmem:s25+$0x3110] =	vst v13;
	v10 =	vadd.f32 v10, v4  }
0x6c: {  	v13 =	vld [tilespmem:s28+$0x3110];
	[tilespmem:s25+$0x3120] =	vst v12;
	v8 =	vadd.f32 v8, v3  }
.Ltmp2:
0x6d: {  	v12 =	vld [tilespmem:s28+$0x3120];
	[tilespmem:s25+$0x3130] =	vst v10;
	v9 =	vadd.f32 v9, v2;
	(pc) =	sbr.rel @p0 .LBB2_6-.Ltmp2, $4  }
0x6e: {  	v10 =	vld [tilespmem:s28+$0x3130];
	[tilespmem:s25+$0x3140] =	vst v8;
	v11 =	vadd.f32 v11, v1  }
0x6f: {  	v8 =	vld [tilespmem:s28+$0x3140];
	[tilespmem:s25+$0x3150] =	vst v9;
	v16 =	vadd.f32 v14, v0  }
0x70: {  	v14 =	vadd.f32 v15, v6;
	v9 =	vld [tilespmem:s28+$0x3150];
	[tilespmem:s25+$0x3160] =	vst v11  }
0x71: {  	s26 =	sadd.s32 $0x200, s26;
	v13 =	vadd.f32 v13, v7;
	v11 =	vld [tilespmem:s28+$0x3160];
	[tilespmem:s25+$0x3170] =	vst v16;
	s25 =	smov.u32 s28  }
0x72: {  	[tilespmem:s25+$0x3100] =	vst v14;
	v5 =	vadd.f32 v12, v5;
	v6 =	vld [tilespmem:s25+$0x3170]  }
0x73: {  	[tilespmem:s25+$0x3110] =	vst v13;
	v4 =	vadd.f32 v10, v4  }
0x74: {  	[tilespmem:s25+$0x3120] =	vst v5;
	v3 =	vadd.f32 v8, v3  }
0x75: {  	[tilespmem:s25+$0x3130] =	vst v4;
	v2 =	vadd.f32 v9, v2  }
0x76: {  	[tilespmem:s25+$0x3140] =	vst v3;
	v1 =	vadd.f32 v11, v1  }
0x77: {  	[tilespmem:s25+$0x3150] =	vst v2;
	v0 =	vadd.f32 v6, v0  }
0x78: {  	[tilespmem:s25+$0x3160] =	vst v1  }
0x79: {  	[tilespmem:s25+$0x3170] =	vst v0  }
0x7a: {  	[hbm4b:s10+s3] =	stream.linear.scatter [tilespmem:s17], [sflag:$0x6], $0x400, $0x38;
	[tilespmem:$0x3500] =	vst v63  }
0x7b: {  	_ =	swait.ge [sflag:s21], $0x1800  }
0x7c: {  	[sflag:s21] =	ssyncset.done $0x0  }
0x7d: {  	s24 =	sadd.s32 $0x1, s24;
	[sflag:s21] =	ssyncadd.s32 $0xFFFFE800  }
0x7e: {  	p0 =	sne.s32 s24, s11;
	_ =	swait.ge [sflag:s22], $0x1800  }
.Ltmp3:
0x7f: {  	[sflag:s22] =	ssyncset.done $0x0;
	(pc) =	sbr.rel @p0 .LBB2_1-.Ltmp3, $4  }
0x80: {  	[sflag:s22] =	ssyncadd.s32 $0xFFFFE800  }
0x81: {  	_ =	swait.ge [sflag:s23], $0x400  }
0x82: {  	[sflag:s23] =	ssyncset.done $0x0  }
0x83: {  	[sflag:s23] =	ssyncadd.s32 $0xFFFFFC00  }
0x84: {  	_ =	sfence.sel $0x180000  }
0x85: {  	[bflag:$0x0] =	sbarrier.arrive $0xFFFF  }
0x86: {  	p0 =	sne.s32 s0, $0x0;
	_ =	strace $0x90000047  }
0x87: {  	s0 =	sadd.s32 @!p0 $0x100000, s1;
	[bflag:$0x2] =	sbarrier.arrive $0xFFFF  }
0x88: {  	[sflag:s0] =	ssyncadd.tile.s32 @!p0 $0x1;
	_ =	shalt  }
.Lfunc_end2:
_tile_overlayer_lowered:
.L_overlay_start_2:
0x89: {  	(tag) =	ssettag $0x2  }
0x8a: {  	s0 =	rddreg [dreg:$0x0];
	s2 =	stileid.u32  }
0x8b: {  	s1 =	rddreg [dreg:$0x1];
	p0 =	sne.s32 s2, $0x0  }
0x8c: {  	s3 =	rddreg [dreg:$0x2];
	[bflag:$0x3] =	sbarrier.arrive $0xFFFF;
	s2 =	simm.s32 @!p0 $0x1C09  }
0x8d: {  	[timem:s3], [sflag:s2] =	dma.local @!p0 [hbm:s0], s1  }
0x8e: {  	s0 =	simm.s32 @!p0 $0x9  }
0x8f: {  	_ =	swait.ge @!p0 [sflag:s0], s1  }
0x90: {  	s1 =	ssub.s32 @!p0 $0x0, s1;
	[sflag:s0] =	ssyncset.done @!p0 $0x0  }
0x91: {  	[sflag:s0] =	ssyncadd.s32 @!p0 s1  }
0x92: {  	[bflag:$0x3] =	sbarrier.arrive $0xFFFF  }
0x93: {  	_ =	shalt  }

</sc_bundles>
